<compile_context>
chip_gen: v7x
topology: tpu7x:2x2x1
jax: 0.10.2.dev20260603
libtpu: 0.0.44.dev20260713+nightly
codegen_flags: <defaults>
</compile_context>

<pallas_src>
import functools

import jax
import jax.numpy as jnp
from jax import lax
from jax.experimental import pallas as pl
from jax.experimental.pallas import tpu as pltpu
from jax.experimental.pallas import tpu_sc as plsc

_Q, _K, _D, _S = 1024, 100000, 32, 50
_NUM_CLOSEST = 500
_TOPC = 552
_BK = 2048
_KPAD = 100352
_NBINS = 1024
_HSTRIDE = 1041
_CAND = 1024
_NW = 32
_QPW = _Q // _NW
_NCHUNK = 8
_CHUNK = _KPAD // _NCHUNK
_VPR = _KPAD // 16
_PAD_VAL = -3.0
_PAD_IDX = _K
_SPAD = 64
_KOUT = 512
_QB = 128


def _sims_body(qn_ref, knt_ref, o_ref):
    i = pl.program_id(0)
    sims = jnp.dot(qn_ref[...], knt_ref[...], preferred_element_type=jnp.float32)
    col = i * _BK + lax.broadcasted_iota(jnp.int32, sims.shape, 1)
    o_ref[...] = jnp.where(col < _K, sims, _PAD_VAL)


def _select_body(sims_hbm, out_idx, out_val, row, hist, cidx, cval, sem):
    wid = lax.axis_index("s") * 2 + lax.axis_index("c")
    lane = lax.iota(jnp.int32, 16)
    lane_f = lane.astype(jnp.float32)
    a_off = 512.0 + lane_f * float(_HSTRIDE)
    lo_vec = lane * _HSTRIDE
    hi_vec = lo_vec + (_NBINS - 1)
    ones = jnp.ones((16,), jnp.int32)
    zeros16 = jnp.zeros((16,), jnp.int32)
    pad_idx16 = jnp.full((16,), _PAD_IDX, jnp.int32)
    cap16 = jnp.full((16,), _CAND + 15, jnp.int32)

    def one_query(qi, _):
        q = wid * _QPW + qi

        copies = [
            pltpu.async_copy(
                sims_hbm.at[q, pl.ds(c * _CHUNK, _CHUNK)],
                row.at[pl.ds(c * _CHUNK, _CHUNK)], sem)
            for c in range(_NCHUNK)
        ]

        def zero_hist(j, _):
            hist[pl.ds(j * 16, 16)] = zeros16
            return 0
        lax.fori_loop(0, _HSTRIDE, zero_hist, 0, unroll=4)

        vpc = _CHUNK // 16
        for c in range(_NCHUNK):
            copies[c].wait()

            @plsc.parallel_loop(0, vpc, unroll=8)
            def body_a(v):
                x = row[pl.ds(c * _CHUNK + v * 16, 16)]
                b = ((x * 512.0) + a_off).astype(jnp.int32)
                b = jnp.minimum(jnp.maximum(b, lo_vec), hi_vec)
                plsc.addupdate_scatter(hist, [b], ones)

        def thresh_block(j, carry):
            cum, nge = carry
            jj = _NBINS // 16 - 1 - j
            counts = zeros16
            for l in range(16):
                counts = counts + hist[pl.ds(l * _HSTRIDE + jj * 16, 16)]
            suff = lax.rev(jnp.cumsum(lax.rev(counts, (0,))), (0,))
            nge = nge + jnp.sum(((suff + cum) >= _TOPC).astype(jnp.int32))
            cum = cum + jnp.sum(counts)
            return cum, nge
        _, nge = lax.fori_loop(0, _NBINS // 16, thresh_block,
                               (jnp.int32(0), jnp.int32(0)))
        bstar = nge - 1

        pad_val16 = jnp.full((16,), _PAD_VAL, jnp.float32)

        def fill(j, _):
            cidx[pl.ds(j * 16, 16)] = pad_idx16
            cval[pl.ds(j * 16, 16)] = pad_val16
            return 0
        lax.fori_loop(0, (_CAND + 16) // 16, fill, 0, unroll=4)

        @plsc.parallel_loop(0, _VPR, unroll=8,
                            carry=(jnp.full((16,), -1, jnp.int32), lane))
        def body_b(v, carry):
            cntm1, giv = carry
            x = row[pl.ds(v * 16, 16)]
            b = ((x * 512.0) + 512.0).astype(jnp.int32)
            mask = b >= bstar
            rank = plsc.cumsum(ones, mask=mask)
            pos = jnp.minimum(cntm1 + rank, cap16)
            plsc.store_scatter(cidx, [pos], giv, mask=mask)
            plsc.store_scatter(cval, [pos], x, mask=mask)
            pc = plsc.all_reduce_population_count(mask)
            return cntm1 + pc, giv + 16

        pltpu.sync_copy(cidx.at[pl.ds(0, _CAND)], out_idx.at[q])
        pltpu.sync_copy(cval.at[pl.ds(0, _CAND)], out_val.at[q])
        return 0

    lax.fori_loop(0, _QPW, one_query, 0)


@functools.cache
def _make_select():
    return pl.kernel(
        _select_body,
        out_type=[jax.ShapeDtypeStruct((_Q, _CAND), jnp.int32),
                  jax.ShapeDtypeStruct((_Q, _CAND), jnp.float32)],
        mesh=plsc.VectorSubcoreMesh(core_axis_name="c", subcore_axis_name="s"),
        compiler_params=pltpu.CompilerParams(needs_layout_passes=False),
        scratch_types=[
            pltpu.VMEM((_KPAD,), jnp.float32),
            pltpu.VMEM((16 * _HSTRIDE,), jnp.int32),
            pltpu.VMEM((_CAND + 16,), jnp.int32),
            pltpu.VMEM((_CAND + 16,), jnp.float32),
            pltpu.SemaphoreType.DMA,
        ],
    )


def kernel(generated_embeddings, keys, seed_tracks):
    eps = 1e-8
    qn = generated_embeddings / jnp.maximum(
        jnp.linalg.norm(generated_embeddings, axis=-1, keepdims=True), eps)
    kn = keys / jnp.maximum(jnp.linalg.norm(keys, axis=-1, keepdims=True), eps)
    knt = jnp.pad(kn.T, ((0, 0), (0, _KPAD - _K)))

    sims = pl.pallas_call(
        _sims_body,
        grid=(_KPAD // _BK,),
        in_specs=[
            pl.BlockSpec((_Q, _D), lambda i: (0, 0)),
            pl.BlockSpec((_D, _BK), lambda i: (0, i)),
        ],
        out_specs=pl.BlockSpec((_Q, _BK), lambda i: (0, i)),
        out_shape=jax.ShapeDtypeStruct((_Q, _KPAD), jnp.float32),
    )(qn, knt)

    cand_idx, cand_val = _make_select()(sims)

    in_seed = (cand_idx[:, :, None] == seed_tracks[:, None, :]).any(axis=-1)
    _, _, kept_idx, kept_vals = lax.sort(
        (in_seed.astype(jnp.int32), -cand_val, cand_idx, cand_val),
        dimension=1, num_keys=2, is_stable=True)
    return kept_idx[:, :_NUM_CLOSEST], kept_vals[:, :_NUM_CLOSEST]

# --- scband reference (transcript-rebuilt; emitter-appended) ---
"""Pipeline reference for scband-closest-embeddings-layer-85641647882722 (READ-ONLY COPY).

The authoritative reference and input builder live on the scoring server;
editing this copy changes nothing except your own understanding.
"""

import jax, jax.numpy as jnp
import numpy as np

NUM_CLOSEST = 500
CANDIDATE_POOL = 2000
Q, K, D, S = 1024, 100000, 32, 50


def setup_inputs(seed: int = 0) -> dict:
    key = jax.random.key(seed)
    k1, k2, k3 = jax.random.split(key, 3)
    generated_embeddings = jax.random.normal(k1, (Q, D), dtype=jnp.float32)
    seed_tracks = jax.random.randint(k2, (Q, S), 0, K, dtype=jnp.int32)
    # The global filtered_embeddings_dict materialized as a dense key table [K, D]
    keys = jax.random.normal(k3, (K, D), dtype=jnp.float32)
    return {"generated_embeddings": generated_embeddings, "keys": keys, "seed_tracks": seed_tracks}


def reference(generated_embeddings, keys, seed_tracks):
    eps = 1e-8
    # torch.nn.functional.cosine_similarity semantics: x.y / (max(||x||, eps) * max(||y||, eps))
    qn = generated_embeddings / jnp.maximum(
        jnp.linalg.norm(generated_embeddings, axis=-1, keepdims=True), eps)
    kn = keys / jnp.maximum(jnp.linalg.norm(keys, axis=-1, keepdims=True), eps)
    sims = qn @ kn.T  # [Q, K] cosine similarities against every dict entry
    # sorted(similarities, reverse=True)[:2000]
    top_vals, top_idx = jax.lax.top_k(sims, CANDIDATE_POOL)
    # filter out entries that are in this query's seed_tracks
    in_seed = (top_idx[:, :, None] == seed_tracks[:, None, :]).any(axis=-1)  # [Q, 2000]
    # stable argsort on bool: non-seed (False) first, preserving similarity order
    order = jnp.argsort(in_seed, axis=1, stable=True)
    kept_idx = jnp.take_along_axis(top_idx, order, axis=1)[:, :NUM_CLOSEST]
    kept_vals = jnp.take_along_axis(top_vals, order, axis=1)[:, :NUM_CLOSEST]
    return kept_idx, kept_vals

if __name__ == "__main__":
    import jax
    _d = setup_inputs()
    print(jax.jit(kernel)(*tuple(_d.values())))

</pallas_src>

<mosaic_0001>
#map = affine_map<(d0, d1) -> (0, 0)>
module attributes {stable_mosaic.version = 14 : i64} {
  func.func @_select_body(%arg0: i32, %arg1: i32, %arg2: memref<1024x100352xf32, #tpu.memory_space<hbm>>, %arg3: memref<1024x1024xi32, #tpu.memory_space<hbm>>, %arg4: memref<1024x1024xf32, #tpu.memory_space<hbm>>, %arg5: memref<100352xf32, #tpu.memory_space<vmem>>, %arg6: memref<16656xi32, #tpu.memory_space<vmem>>, %arg7: memref<1040xi32, #tpu.memory_space<vmem>>, %arg8: memref<1040xf32, #tpu.memory_space<vmem>>, %arg9: memref<!tpu.dma_semaphore, #tpu.memory_space<semaphore_mem>>) attributes {dimension_semantics = [#tpu.dimension_semantics<core_parallel>, #tpu.dimension_semantics<subcore_parallel>], iteration_bounds = array<i64: 2, 16>, scalar_prefetch = 0 : i64, scratch_operands = 5 : i64, tpu.core_type = #tpu.core_type<sc_vector_subcore>, window_params = [{transform_indices = #map}, {transform_indices = #map}, {transform_indices = #map}]} {
    %mul3A = arith.constant 2 : i32
    %mul3A_0 = arith.muli %arg1, %mul3A : i32
    %add3A = arith.addi %mul3A_0, %arg0 : i32
    %iota3A = tpu.iota {dimensions = array<i32: 0>} : vector<16xi32>
    %convert_element_type3A = arith.sitofp %iota3A : vector<16xi32> to vector<16xf32>
    %mul3A_1 = arith.constant 1.041000e+03 : f32
    %mul3A_2 = vector.broadcast %mul3A_1 : f32 to vector<16xf32>
    %mul3A_3 = arith.mulf %convert_element_type3A, %mul3A_2 : vector<16xf32>
    %add3A_4 = arith.constant 5.120000e+02 : f32
    %add3A_5 = vector.broadcast %add3A_4 : f32 to vector<16xf32>
    %add3A_6 = arith.addf %add3A_5, %mul3A_3 : vector<16xf32>
    %mul3A_7 = arith.constant 1041 : i32
    %mul3A_8 = vector.broadcast %mul3A_7 : i32 to vector<16xi32>
    %mul3A_9 = arith.muli %iota3A, %mul3A_8 : vector<16xi32>
    %add3A_10 = arith.constant 1023 : i32
    %add3A_11 = vector.broadcast %add3A_10 : i32 to vector<16xi32>
    %add3A_12 = arith.addi %mul3A_9, %add3A_11 : vector<16xi32>
    %broadcast_in_dim3A = arith.constant 1 : i32
    %broadcast_in_dim3A_13 = vector.broadcast %broadcast_in_dim3A : i32 to vector<16xi32>
    %broadcast_in_dim3A_14 = arith.constant 0 : i32
    %broadcast_in_dim3A_15 = vector.broadcast %broadcast_in_dim3A_14 : i32 to vector<16xi32>
    %broadcast_in_dim3A_16 = arith.constant 100000 : i32
    %broadcast_in_dim3A_17 = vector.broadcast %broadcast_in_dim3A_16 : i32 to vector<16xi32>
    %broadcast_in_dim3A_18 = arith.constant 1039 : i32
    %broadcast_in_dim3A_19 = vector.broadcast %broadcast_in_dim3A_18 : i32 to vector<16xi32>
    %scan3A = arith.constant 0 : i32
    %scan3A_20 = arith.constant 0 : i32
    %scan3A_21 = arith.constant 32 : i32
    %scan3A_22 = arith.addi %scan3A_20, %scan3A_21 : i32
    %scan3A_23 = arith.constant 1 : i32
    %scan3A_24 = scf.for %scan3A_26 = %scan3A_20 to %scan3A_22 step %scan3A_23 iter_args(%scan3A_27 = %scan3A) -> (i32)  : i32 {
      %mul3A_28 = arith.constant 32 : i32
      %mul3A_29 = arith.muli %add3A, %mul3A_28 : i32
      %add3A_30 = arith.addi %mul3A_29, %scan3A_26 : i32
      %dma_start3A = arith.constant 0 : i32
      %dma_start3A_31 = tpu.memref_slice %arg5[%dma_start3A] : memref<100352xf32, #tpu.memory_space<vmem>> -> memref<12544xf32, #tpu.memory_space<vmem>>
      %dma_start3A_32 = arith.constant 0 : i32
      %dma_start3A_33 = tpu.memref_slice %arg2[%add3A_30, %dma_start3A_32] : memref<1024x100352xf32, #tpu.memory_space<hbm>> -> memref<1x12544xf32, #tpu.memory_space<hbm>>
      %dma_start3A_34 = tpu.memref_squeeze %dma_start3A_33 : memref<1x12544xf32, #tpu.memory_space<hbm>> -> memref<12544xf32, #tpu.memory_space<hbm>>
      %dma_start3A_35 = arith.constant 0 : i32
      %dma_start3A_36 = tpu.memref_slice %arg5[%dma_start3A_35] : memref<100352xf32, #tpu.memory_space<vmem>> -> memref<12544xf32, #tpu.memory_space<vmem>>
      %dma_start3A_37 = arith.constant 0 : i32
      %dma_start3A_38 = tpu.memref_slice %arg2[%add3A_30, %dma_start3A_37] : memref<1024x100352xf32, #tpu.memory_space<hbm>> -> memref<1x12544xf32, #tpu.memory_space<hbm>>
      %dma_start3A_39 = tpu.memref_squeeze %dma_start3A_38 : memref<1x12544xf32, #tpu.memory_space<hbm>> -> memref<12544xf32, #tpu.memory_space<hbm>>
      tpu.enqueue_dma source(%dma_start3A_39 : memref<12544xf32, #tpu.memory_space<hbm>>) target(%dma_start3A_36 : memref<12544xf32, #tpu.memory_space<vmem>>) target_semaphore(%arg9 : memref<!tpu.dma_semaphore, #tpu.memory_space<semaphore_mem>>)
      %dma_start3A_40 = arith.constant 12544 : i32
      %dma_start3A_41 = tpu.memref_slice %arg5[%dma_start3A_40] : memref<100352xf32, #tpu.memory_space<vmem>> -> memref<12544xf32, #tpu.memory_space<vmem>>
      %dma_start3A_42 = arith.constant 12544 : i32
      %dma_start3A_43 = tpu.memref_slice %arg2[%add3A_30, %dma_start3A_42] : memref<1024x100352xf32, #tpu.memory_space<hbm>> -> memref<1x12544xf32, #tpu.memory_space<hbm>>
      %dma_start3A_44 = tpu.memref_squeeze %dma_start3A_43 : memref<1x12544xf32, #tpu.memory_space<hbm>> -> memref<12544xf32, #tpu.memory_space<hbm>>
      %dma_start3A_45 = arith.constant 12544 : i32
      %dma_start3A_46 = tpu.memref_slice %arg5[%dma_start3A_45] : memref<100352xf32, #tpu.memory_space<vmem>> -> memref<12544xf32, #tpu.memory_space<vmem>>
      %dma_start3A_47 = arith.constant 12544 : i32
      %dma_start3A_48 = tpu.memref_slice %arg2[%add3A_30, %dma_start3A_47] : memref<1024x100352xf32, #tpu.memory_space<hbm>> -> memref<1x12544xf32, #tpu.memory_space<hbm>>
      %dma_start3A_49 = tpu.memref_squeeze %dma_start3A_48 : memref<1x12544xf32, #tpu.memory_space<hbm>> -> memref<12544xf32, #tpu.memory_space<hbm>>
      tpu.enqueue_dma source(%dma_start3A_49 : memref<12544xf32, #tpu.memory_space<hbm>>) target(%dma_start3A_46 : memref<12544xf32, #tpu.memory_space<vmem>>) target_semaphore(%arg9 : memref<!tpu.dma_semaphore, #tpu.memory_space<semaphore_mem>>)
      %dma_start3A_50 = arith.constant 25088 : i32
      %dma_start3A_51 = tpu.memref_slice %arg5[%dma_start3A_50] : memref<100352xf32, #tpu.memory_space<vmem>> -> memref<12544xf32, #tpu.memory_space<vmem>>
      %dma_start3A_52 = arith.constant 25088 : i32
      %dma_start3A_53 = tpu.memref_slice %arg2[%add3A_30, %dma_start3A_52] : memref<1024x100352xf32, #tpu.memory_space<hbm>> -> memref<1x12544xf32, #tpu.memory_space<hbm>>
      %dma_start3A_54 = tpu.memref_squeeze %dma_start3A_53 : memref<1x12544xf32, #tpu.memory_space<hbm>> -> memref<12544xf32, #tpu.memory_space<hbm>>
      %dma_start3A_55 = arith.constant 25088 : i32
      %dma_start3A_56 = tpu.memref_slice %arg5[%dma_start3A_55] : memref<100352xf32, #tpu.memory_space<vmem>> -> memref<12544xf32, #tpu.memory_space<vmem>>
      %dma_start3A_57 = arith.constant 25088 : i32
      %dma_start3A_58 = tpu.memref_slice %arg2[%add3A_30, %dma_start3A_57] : memref<1024x100352xf32, #tpu.memory_space<hbm>> -> memref<1x12544xf32, #tpu.memory_space<hbm>>
      %dma_start3A_59 = tpu.memref_squeeze %dma_start3A_58 : memref<1x12544xf32, #tpu.memory_space<hbm>> -> memref<12544xf32, #tpu.memory_space<hbm>>
      tpu.enqueue_dma source(%dma_start3A_59 : memref<12544xf32, #tpu.memory_space<hbm>>) target(%dma_start3A_56 : memref<12544xf32, #tpu.memory_space<vmem>>) target_semaphore(%arg9 : memref<!tpu.dma_semaphore, #tpu.memory_space<semaphore_mem>>)
      %dma_start3A_60 = arith.constant 37632 : i32
      %dma_start3A_61 = tpu.memref_slice %arg5[%dma_start3A_60] : memref<100352xf32, #tpu.memory_space<vmem>> -> memref<12544xf32, #tpu.memory_space<vmem>>
      %dma_start3A_62 = arith.constant 37632 : i32
      %dma_start3A_63 = tpu.memref_slice %arg2[%add3A_30, %dma_start3A_62] : memref<1024x100352xf32, #tpu.memory_space<hbm>> -> memref<1x12544xf32, #tpu.memory_space<hbm>>
      %dma_start3A_64 = tpu.memref_squeeze %dma_start3A_63 : memref<1x12544xf32, #tpu.memory_space<hbm>> -> memref<12544xf32, #tpu.memory_space<hbm>>
      %dma_start3A_65 = arith.constant 37632 : i32
      %dma_start3A_66 = tpu.memref_slice %arg5[%dma_start3A_65] : memref<100352xf32, #tpu.memory_space<vmem>> -> memref<12544xf32, #tpu.memory_space<vmem>>
      %dma_start3A_67 = arith.constant 37632 : i32
      %dma_start3A_68 = tpu.memref_slice %arg2[%add3A_30, %dma_start3A_67] : memref<1024x100352xf32, #tpu.memory_space<hbm>> -> memref<1x12544xf32, #tpu.memory_space<hbm>>
      %dma_start3A_69 = tpu.memref_squeeze %dma_start3A_68 : memref<1x12544xf32, #tpu.memory_space<hbm>> -> memref<12544xf32, #tpu.memory_space<hbm>>
      tpu.enqueue_dma source(%dma_start3A_69 : memref<12544xf32, #tpu.memory_space<hbm>>) target(%dma_start3A_66 : memref<12544xf32, #tpu.memory_space<vmem>>) target_semaphore(%arg9 : memref<!tpu.dma_semaphore, #tpu.memory_space<semaphore_mem>>)
      %dma_start3A_70 = arith.constant 50176 : i32
      %dma_start3A_71 = tpu.memref_slice %arg5[%dma_start3A_70] : memref<100352xf32, #tpu.memory_space<vmem>> -> memref<12544xf32, #tpu.memory_space<vmem>>
      %dma_start3A_72 = arith.constant 50176 : i32
      %dma_start3A_73 = tpu.memref_slice %arg2[%add3A_30, %dma_start3A_72] : memref<1024x100352xf32, #tpu.memory_space<hbm>> -> memref<1x12544xf32, #tpu.memory_space<hbm>>
      %dma_start3A_74 = tpu.memref_squeeze %dma_start3A_73 : memref<1x12544xf32, #tpu.memory_space<hbm>> -> memref<12544xf32, #tpu.memory_space<hbm>>
      %dma_start3A_75 = arith.constant 50176 : i32
      %dma_start3A_76 = tpu.memref_slice %arg5[%dma_start3A_75] : memref<100352xf32, #tpu.memory_space<vmem>> -> memref<12544xf32, #tpu.memory_space<vmem>>
      %dma_start3A_77 = arith.constant 50176 : i32
      %dma_start3A_78 = tpu.memref_slice %arg2[%add3A_30, %dma_start3A_77] : memref<1024x100352xf32, #tpu.memory_space<hbm>> -> memref<1x12544xf32, #tpu.memory_space<hbm>>
      %dma_start3A_79 = tpu.memref_squeeze %dma_start3A_78 : memref<1x12544xf32, #tpu.memory_space<hbm>> -> memref<12544xf32, #tpu.memory_space<hbm>>
      tpu.enqueue_dma source(%dma_start3A_79 : memref<12544xf32, #tpu.memory_space<hbm>>) target(%dma_start3A_76 : memref<12544xf32, #tpu.memory_space<vmem>>) target_semaphore(%arg9 : memref<!tpu.dma_semaphore, #tpu.memory_space<semaphore_mem>>)
      %dma_start3A_80 = arith.constant 62720 : i32
      %dma_start3A_81 = tpu.memref_slice %arg5[%dma_start3A_80] : memref<100352xf32, #tpu.memory_space<vmem>> -> memref<12544xf32, #tpu.memory_space<vmem>>
      %dma_start3A_82 = arith.constant 62720 : i32
      %dma_start3A_83 = tpu.memref_slice %arg2[%add3A_30, %dma_start3A_82] : memref<1024x100352xf32, #tpu.memory_space<hbm>> -> memref<1x12544xf32, #tpu.memory_space<hbm>>
      %dma_start3A_84 = tpu.memref_squeeze %dma_start3A_83 : memref<1x12544xf32, #tpu.memory_space<hbm>> -> memref<12544xf32, #tpu.memory_space<hbm>>
      %dma_start3A_85 = arith.constant 62720 : i32
      %dma_start3A_86 = tpu.memref_slice %arg5[%dma_start3A_85] : memref<100352xf32, #tpu.memory_space<vmem>> -> memref<12544xf32, #tpu.memory_space<vmem>>
      %dma_start3A_87 = arith.constant 62720 : i32
      %dma_start3A_88 = tpu.memref_slice %arg2[%add3A_30, %dma_start3A_87] : memref<1024x100352xf32, #tpu.memory_space<hbm>> -> memref<1x12544xf32, #tpu.memory_space<hbm>>
      %dma_start3A_89 = tpu.memref_squeeze %dma_start3A_88 : memref<1x12544xf32, #tpu.memory_space<hbm>> -> memref<12544xf32, #tpu.memory_space<hbm>>
      tpu.enqueue_dma source(%dma_start3A_89 : memref<12544xf32, #tpu.memory_space<hbm>>) target(%dma_start3A_86 : memref<12544xf32, #tpu.memory_space<vmem>>) target_semaphore(%arg9 : memref<!tpu.dma_semaphore, #tpu.memory_space<semaphore_mem>>)
      %dma_start3A_90 = arith.constant 75264 : i32
      %dma_start3A_91 = tpu.memref_slice %arg5[%dma_start3A_90] : memref<100352xf32, #tpu.memory_space<vmem>> -> memref<12544xf32, #tpu.memory_space<vmem>>
      %dma_start3A_92 = arith.constant 75264 : i32
      %dma_start3A_93 = tpu.memref_slice %arg2[%add3A_30, %dma_start3A_92] : memref<1024x100352xf32, #tpu.memory_space<hbm>> -> memref<1x12544xf32, #tpu.memory_space<hbm>>
      %dma_start3A_94 = tpu.memref_squeeze %dma_start3A_93 : memref<1x12544xf32, #tpu.memory_space<hbm>> -> memref<12544xf32, #tpu.memory_space<hbm>>
      %dma_start3A_95 = arith.constant 75264 : i32
      %dma_start3A_96 = tpu.memref_slice %arg5[%dma_start3A_95] : memref<100352xf32, #tpu.memory_space<vmem>> -> memref<12544xf32, #tpu.memory_space<vmem>>
      %dma_start3A_97 = arith.constant 75264 : i32
      %dma_start3A_98 = tpu.memref_slice %arg2[%add3A_30, %dma_start3A_97] : memref<1024x100352xf32, #tpu.memory_space<hbm>> -> memref<1x12544xf32, #tpu.memory_space<hbm>>
      %dma_start3A_99 = tpu.memref_squeeze %dma_start3A_98 : memref<1x12544xf32, #tpu.memory_space<hbm>> -> memref<12544xf32, #tpu.memory_space<hbm>>
      tpu.enqueue_dma source(%dma_start3A_99 : memref<12544xf32, #tpu.memory_space<hbm>>) target(%dma_start3A_96 : memref<12544xf32, #tpu.memory_space<vmem>>) target_semaphore(%arg9 : memref<!tpu.dma_semaphore, #tpu.memory_space<semaphore_mem>>)
      %dma_start3A_100 = arith.constant 87808 : i32
      %dma_start3A_101 = tpu.memref_slice %arg5[%dma_start3A_100] : memref<100352xf32, #tpu.memory_space<vmem>> -> memref<12544xf32, #tpu.memory_space<vmem>>
      %dma_start3A_102 = arith.constant 87808 : i32
      %dma_start3A_103 = tpu.memref_slice %arg2[%add3A_30, %dma_start3A_102] : memref<1024x100352xf32, #tpu.memory_space<hbm>> -> memref<1x12544xf32, #tpu.memory_space<hbm>>
      %dma_start3A_104 = tpu.memref_squeeze %dma_start3A_103 : memref<1x12544xf32, #tpu.memory_space<hbm>> -> memref<12544xf32, #tpu.memory_space<hbm>>
      %dma_start3A_105 = arith.constant 87808 : i32
      %dma_start3A_106 = tpu.memref_slice %arg5[%dma_start3A_105] : memref<100352xf32, #tpu.memory_space<vmem>> -> memref<12544xf32, #tpu.memory_space<vmem>>
      %dma_start3A_107 = arith.constant 87808 : i32
      %dma_start3A_108 = tpu.memref_slice %arg2[%add3A_30, %dma_start3A_107] : memref<1024x100352xf32, #tpu.memory_space<hbm>> -> memref<1x12544xf32, #tpu.memory_space<hbm>>
      %dma_start3A_109 = tpu.memref_squeeze %dma_start3A_108 : memref<1x12544xf32, #tpu.memory_space<hbm>> -> memref<12544xf32, #tpu.memory_space<hbm>>
      tpu.enqueue_dma source(%dma_start3A_109 : memref<12544xf32, #tpu.memory_space<hbm>>) target(%dma_start3A_106 : memref<12544xf32, #tpu.memory_space<vmem>>) target_semaphore(%arg9 : memref<!tpu.dma_semaphore, #tpu.memory_space<semaphore_mem>>)
      %scan3A_110 = arith.constant 0 : i32
      %scan3A_111 = arith.constant 0 : i32
      %scan3A_112 = arith.constant 1040 : i32
      %scan3A_113 = arith.addi %scan3A_111, %scan3A_112 : i32
      %scan3A_114 = arith.constant 4 : i32
      %scan3A_115 = scf.for %scan3A_261 = %scan3A_111 to %scan3A_113 step %scan3A_114 iter_args(%scan3A_262 = %scan3A_110) -> (i32)  : i32 {
        %mul3A_263 = arith.constant 16 : i32
        %mul3A_264 = arith.muli %scan3A_261, %mul3A_263 : i32
        %swap3A_265 = arith.index_cast %mul3A_264 : i32 to index
        %swap3A_266 = tpu.vector_load %arg6[%swap3A_265] {strides = array<i32>} : memref<16656xi32, #tpu.memory_space<vmem>>, vector<16xi32>,
        tpu.vector_store %arg6[%swap3A_265], %broadcast_in_dim3A_15 {strides = array<i32>} : memref<16656xi32, #tpu.memory_space<vmem>>, vector<16xi32>,
        %scan3A_267 = arith.constant 0 : i32
        %scan3A_268 = arith.constant 1 : i32
        %scan3A_269 = arith.addi %scan3A_261, %scan3A_268 : i32
        %mul3A_270 = arith.constant 16 : i32
        %mul3A_271 = arith.muli %scan3A_269, %mul3A_270 : i32
        %swap3A_272 = arith.index_cast %mul3A_271 : i32 to index
        %swap3A_273 = tpu.vector_load %arg6[%swap3A_272] {strides = array<i32>} : memref<16656xi32, #tpu.memory_space<vmem>>, vector<16xi32>,
        tpu.vector_store %arg6[%swap3A_272], %broadcast_in_dim3A_15 {strides = array<i32>} : memref<16656xi32, #tpu.memory_space<vmem>>, vector<16xi32>,
        %scan3A_274 = arith.constant 0 : i32
        %scan3A_275 = arith.constant 2 : i32
        %scan3A_276 = arith.addi %scan3A_261, %scan3A_275 : i32
        %mul3A_277 = arith.constant 16 : i32
        %mul3A_278 = arith.muli %scan3A_276, %mul3A_277 : i32
        %swap3A_279 = arith.index_cast %mul3A_278 : i32 to index
        %swap3A_280 = tpu.vector_load %arg6[%swap3A_279] {strides = array<i32>} : memref<16656xi32, #tpu.memory_space<vmem>>, vector<16xi32>,
        tpu.vector_store %arg6[%swap3A_279], %broadcast_in_dim3A_15 {strides = array<i32>} : memref<16656xi32, #tpu.memory_space<vmem>>, vector<16xi32>,
        %scan3A_281 = arith.constant 0 : i32
        %scan3A_282 = arith.constant 3 : i32
        %scan3A_283 = arith.addi %scan3A_261, %scan3A_282 : i32
        %mul3A_284 = arith.constant 16 : i32
        %mul3A_285 = arith.muli %scan3A_283, %mul3A_284 : i32
        %swap3A_286 = arith.index_cast %mul3A_285 : i32 to index
        %swap3A_287 = tpu.vector_load %arg6[%swap3A_286] {strides = array<i32>} : memref<16656xi32, #tpu.memory_space<vmem>>, vector<16xi32>,
        tpu.vector_store %arg6[%swap3A_286], %broadcast_in_dim3A_15 {strides = array<i32>} : memref<16656xi32, #tpu.memory_space<vmem>>, vector<16xi32>,
        %scan3A_288 = arith.constant 0 : i32
        scf.yield %scan3A_288 : i32
      }
      %scan3A_116 = arith.constant 1040 : i32
      %scan3A_117 = arith.addi %scan3A_111, %scan3A_116 : i32
      %mul3A_118 = arith.constant 16 : i32
      %mul3A_119 = arith.muli %scan3A_117, %mul3A_118 : i32
      %swap3A = arith.index_cast %mul3A_119 : i32 to index
      %swap3A_120 = tpu.vector_load %arg6[%swap3A] {strides = array<i32>} : memref<16656xi32, #tpu.memory_space<vmem>>, vector<16xi32>,
      tpu.vector_store %arg6[%swap3A], %broadcast_in_dim3A_15 {strides = array<i32>} : memref<16656xi32, #tpu.memory_space<vmem>>, vector<16xi32>,
      %scan3A_121 = arith.constant 0 : i32
      %scan3A_122 = arith.constant 1041 : i32
      %dma_wait3A = arith.constant 0 : i32
      %dma_wait3A_123 = tpu.memref_slice %arg5[%dma_wait3A] : memref<100352xf32, #tpu.memory_space<vmem>> -> memref<12544xf32, #tpu.memory_space<vmem>>
      %dma_wait3A_124 = arith.constant 0 : i32
      %dma_wait3A_125 = tpu.memref_slice %arg2[%add3A_30, %dma_wait3A_124] : memref<1024x100352xf32, #tpu.memory_space<hbm>> -> memref<1x12544xf32, #tpu.memory_space<hbm>>
      %dma_wait3A_126 = tpu.memref_squeeze %dma_wait3A_125 : memref<1x12544xf32, #tpu.memory_space<hbm>> -> memref<12544xf32, #tpu.memory_space<hbm>>
      %dma_wait3A_127 = arith.constant 0 : i32
      %dma_wait3A_128 = tpu.memref_slice %arg5[%dma_wait3A_127] : memref<100352xf32, #tpu.memory_space<vmem>> -> memref<12544xf32, #tpu.memory_space<vmem>>
      %dma_wait3A_129 = arith.constant 0 : i32
      %dma_wait3A_130 = tpu.memref_slice %arg2[%add3A_30, %dma_wait3A_129] : memref<1024x100352xf32, #tpu.memory_space<hbm>> -> memref<1x12544xf32, #tpu.memory_space<hbm>>
      %dma_wait3A_131 = tpu.memref_squeeze %dma_wait3A_130 : memref<1x12544xf32, #tpu.memory_space<hbm>> -> memref<12544xf32, #tpu.memory_space<hbm>>
      tpu.wait_dma2 semaphore(%arg9 : memref<!tpu.dma_semaphore, #tpu.memory_space<semaphore_mem>>) src(%dma_wait3A_131 : memref<12544xf32, #tpu.memory_space<hbm>>) dst(%dma_wait3A_128 : memref<12544xf32, #tpu.memory_space<vmem>>)
      %parallel_loop3A = arith.constant 0 : i32
      %parallel_loop3A_132 = arith.constant 784 : i32
      %parallel_loop3A_133 = arith.constant 1 : i32
      scf.for %parallel_loop3A_261 = %parallel_loop3A to %parallel_loop3A_132 step %parallel_loop3A_133  : i32 {
        %parallel_loop3A_262 = arith.constant 16 : i32
        %parallel_loop3A_263 = arith.muli %parallel_loop3A_261, %parallel_loop3A_262 : i32
        %parallel_loop3A_264 = arith.constant 0 : i32
        %parallel_loop3A_265 = arith.addi %parallel_loop3A_264, %parallel_loop3A_263 : i32
        %parallel_loop3A_266 = arith.index_cast %parallel_loop3A_265 : i32 to index
        %parallel_loop3A_267 = tpu.vector_load %arg5[%parallel_loop3A_266] {strides = array<i32>} : memref<100352xf32, #tpu.memory_space<vmem>>, vector<16xf32>,
        %parallel_loop3A_268 = arith.constant 5.120000e+02 : f32
        %parallel_loop3A_269 = vector.broadcast %parallel_loop3A_268 : f32 to vector<16xf32>
        %parallel_loop3A_270 = arith.mulf %parallel_loop3A_267, %parallel_loop3A_269 : vector<16xf32>
        %parallel_loop3A_271 = arith.addf %parallel_loop3A_270, %add3A_6 : vector<16xf32>
        %parallel_loop3A_272 = arith.fptosi %parallel_loop3A_271 : vector<16xf32> to vector<16xi32>
        %parallel_loop3A_273 = arith.maxsi %parallel_loop3A_272, %mul3A_9 : vector<16xi32>
        %parallel_loop3A_274 = arith.minsi %parallel_loop3A_273, %add3A_12 : vector<16xi32>
        tpu.vector_store_idx %arg6[%parallel_loop3A_274], %broadcast_in_dim3A_13 {add = true} : memref<16656xi32, #tpu.memory_space<vmem>>[vector<16xi32>], vector<16xi32>,
      } {sc.loop_unroll_factor = 8 : i64, sc.parallel_access}
      %dma_wait3A_134 = arith.constant 12544 : i32
      %dma_wait3A_135 = tpu.memref_slice %arg5[%dma_wait3A_134] : memref<100352xf32, #tpu.memory_space<vmem>> -> memref<12544xf32, #tpu.memory_space<vmem>>
      %dma_wait3A_136 = arith.constant 12544 : i32
      %dma_wait3A_137 = tpu.memref_slice %arg2[%add3A_30, %dma_wait3A_136] : memref<1024x100352xf32, #tpu.memory_space<hbm>> -> memref<1x12544xf32, #tpu.memory_space<hbm>>
      %dma_wait3A_138 = tpu.memref_squeeze %dma_wait3A_137 : memref<1x12544xf32, #tpu.memory_space<hbm>> -> memref<12544xf32, #tpu.memory_space<hbm>>
      %dma_wait3A_139 = arith.constant 12544 : i32
      %dma_wait3A_140 = tpu.memref_slice %arg5[%dma_wait3A_139] : memref<100352xf32, #tpu.memory_space<vmem>> -> memref<12544xf32, #tpu.memory_space<vmem>>
      %dma_wait3A_141 = arith.constant 12544 : i32
      %dma_wait3A_142 = tpu.memref_slice %arg2[%add3A_30, %dma_wait3A_141] : memref<1024x100352xf32, #tpu.memory_space<hbm>> -> memref<1x12544xf32, #tpu.memory_space<hbm>>
      %dma_wait3A_143 = tpu.memref_squeeze %dma_wait3A_142 : memref<1x12544xf32, #tpu.memory_space<hbm>> -> memref<12544xf32, #tpu.memory_space<hbm>>
      tpu.wait_dma2 semaphore(%arg9 : memref<!tpu.dma_semaphore, #tpu.memory_space<semaphore_mem>>) src(%dma_wait3A_143 : memref<12544xf32, #tpu.memory_space<hbm>>) dst(%dma_wait3A_140 : memref<12544xf32, #tpu.memory_space<vmem>>)
      %parallel_loop3A_144 = arith.constant 0 : i32
      %parallel_loop3A_145 = arith.constant 784 : i32
      %parallel_loop3A_146 = arith.constant 1 : i32
      scf.for %parallel_loop3A_261 = %parallel_loop3A_144 to %parallel_loop3A_145 step %parallel_loop3A_146  : i32 {
        %parallel_loop3A_262 = arith.constant 16 : i32
        %parallel_loop3A_263 = arith.muli %parallel_loop3A_261, %parallel_loop3A_262 : i32
        %parallel_loop3A_264 = arith.constant 12544 : i32
        %parallel_loop3A_265 = arith.addi %parallel_loop3A_264, %parallel_loop3A_263 : i32
        %parallel_loop3A_266 = arith.index_cast %parallel_loop3A_265 : i32 to index
        %parallel_loop3A_267 = tpu.vector_load %arg5[%parallel_loop3A_266] {strides = array<i32>} : memref<100352xf32, #tpu.memory_space<vmem>>, vector<16xf32>,
        %parallel_loop3A_268 = arith.constant 5.120000e+02 : f32
        %parallel_loop3A_269 = vector.broadcast %parallel_loop3A_268 : f32 to vector<16xf32>
        %parallel_loop3A_270 = arith.mulf %parallel_loop3A_267, %parallel_loop3A_269 : vector<16xf32>
        %parallel_loop3A_271 = arith.addf %parallel_loop3A_270, %add3A_6 : vector<16xf32>
        %parallel_loop3A_272 = arith.fptosi %parallel_loop3A_271 : vector<16xf32> to vector<16xi32>
        %parallel_loop3A_273 = arith.maxsi %parallel_loop3A_272, %mul3A_9 : vector<16xi32>
        %parallel_loop3A_274 = arith.minsi %parallel_loop3A_273, %add3A_12 : vector<16xi32>
        tpu.vector_store_idx %arg6[%parallel_loop3A_274], %broadcast_in_dim3A_13 {add = true} : memref<16656xi32, #tpu.memory_space<vmem>>[vector<16xi32>], vector<16xi32>,
      } {sc.loop_unroll_factor = 8 : i64, sc.parallel_access}
      %dma_wait3A_147 = arith.constant 25088 : i32
      %dma_wait3A_148 = tpu.memref_slice %arg5[%dma_wait3A_147] : memref<100352xf32, #tpu.memory_space<vmem>> -> memref<12544xf32, #tpu.memory_space<vmem>>
      %dma_wait3A_149 = arith.constant 25088 : i32
      %dma_wait3A_150 = tpu.memref_slice %arg2[%add3A_30, %dma_wait3A_149] : memref<1024x100352xf32, #tpu.memory_space<hbm>> -> memref<1x12544xf32, #tpu.memory_space<hbm>>
      %dma_wait3A_151 = tpu.memref_squeeze %dma_wait3A_150 : memref<1x12544xf32, #tpu.memory_space<hbm>> -> memref<12544xf32, #tpu.memory_space<hbm>>
      %dma_wait3A_152 = arith.constant 25088 : i32
      %dma_wait3A_153 = tpu.memref_slice %arg5[%dma_wait3A_152] : memref<100352xf32, #tpu.memory_space<vmem>> -> memref<12544xf32, #tpu.memory_space<vmem>>
      %dma_wait3A_154 = arith.constant 25088 : i32
      %dma_wait3A_155 = tpu.memref_slice %arg2[%add3A_30, %dma_wait3A_154] : memref<1024x100352xf32, #tpu.memory_space<hbm>> -> memref<1x12544xf32, #tpu.memory_space<hbm>>
      %dma_wait3A_156 = tpu.memref_squeeze %dma_wait3A_155 : memref<1x12544xf32, #tpu.memory_space<hbm>> -> memref<12544xf32, #tpu.memory_space<hbm>>
      tpu.wait_dma2 semaphore(%arg9 : memref<!tpu.dma_semaphore, #tpu.memory_space<semaphore_mem>>) src(%dma_wait3A_156 : memref<12544xf32, #tpu.memory_space<hbm>>) dst(%dma_wait3A_153 : memref<12544xf32, #tpu.memory_space<vmem>>)
      %parallel_loop3A_157 = arith.constant 0 : i32
      %parallel_loop3A_158 = arith.constant 784 : i32
      %parallel_loop3A_159 = arith.constant 1 : i32
      scf.for %parallel_loop3A_261 = %parallel_loop3A_157 to %parallel_loop3A_158 step %parallel_loop3A_159  : i32 {
        %parallel_loop3A_262 = arith.constant 16 : i32
        %parallel_loop3A_263 = arith.muli %parallel_loop3A_261, %parallel_loop3A_262 : i32
        %parallel_loop3A_264 = arith.constant 25088 : i32
        %parallel_loop3A_265 = arith.addi %parallel_loop3A_264, %parallel_loop3A_263 : i32
        %parallel_loop3A_266 = arith.index_cast %parallel_loop3A_265 : i32 to index
        %parallel_loop3A_267 = tpu.vector_load %arg5[%parallel_loop3A_266] {strides = array<i32>} : memref<100352xf32, #tpu.memory_space<vmem>>, vector<16xf32>,
        %parallel_loop3A_268 = arith.constant 5.120000e+02 : f32
        %parallel_loop3A_269 = vector.broadcast %parallel_loop3A_268 : f32 to vector<16xf32>
        %parallel_loop3A_270 = arith.mulf %parallel_loop3A_267, %parallel_loop3A_269 : vector<16xf32>
        %parallel_loop3A_271 = arith.addf %parallel_loop3A_270, %add3A_6 : vector<16xf32>
        %parallel_loop3A_272 = arith.fptosi %parallel_loop3A_271 : vector<16xf32> to vector<16xi32>
        %parallel_loop3A_273 = arith.maxsi %parallel_loop3A_272, %mul3A_9 : vector<16xi32>
        %parallel_loop3A_274 = arith.minsi %parallel_loop3A_273, %add3A_12 : vector<16xi32>
        tpu.vector_store_idx %arg6[%parallel_loop3A_274], %broadcast_in_dim3A_13 {add = true} : memref<16656xi32, #tpu.memory_space<vmem>>[vector<16xi32>], vector<16xi32>,
      } {sc.loop_unroll_factor = 8 : i64, sc.parallel_access}
      %dma_wait3A_160 = arith.constant 37632 : i32
      %dma_wait3A_161 = tpu.memref_slice %arg5[%dma_wait3A_160] : memref<100352xf32, #tpu.memory_space<vmem>> -> memref<12544xf32, #tpu.memory_space<vmem>>
      %dma_wait3A_162 = arith.constant 37632 : i32
      %dma_wait3A_163 = tpu.memref_slice %arg2[%add3A_30, %dma_wait3A_162] : memref<1024x100352xf32, #tpu.memory_space<hbm>> -> memref<1x12544xf32, #tpu.memory_space<hbm>>
      %dma_wait3A_164 = tpu.memref_squeeze %dma_wait3A_163 : memref<1x12544xf32, #tpu.memory_space<hbm>> -> memref<12544xf32, #tpu.memory_space<hbm>>
      %dma_wait3A_165 = arith.constant 37632 : i32
      %dma_wait3A_166 = tpu.memref_slice %arg5[%dma_wait3A_165] : memref<100352xf32, #tpu.memory_space<vmem>> -> memref<12544xf32, #tpu.memory_space<vmem>>
      %dma_wait3A_167 = arith.constant 37632 : i32
      %dma_wait3A_168 = tpu.memref_slice %arg2[%add3A_30, %dma_wait3A_167] : memref<1024x100352xf32, #tpu.memory_space<hbm>> -> memref<1x12544xf32, #tpu.memory_space<hbm>>
      %dma_wait3A_169 = tpu.memref_squeeze %dma_wait3A_168 : memref<1x12544xf32, #tpu.memory_space<hbm>> -> memref<12544xf32, #tpu.memory_space<hbm>>
      tpu.wait_dma2 semaphore(%arg9 : memref<!tpu.dma_semaphore, #tpu.memory_space<semaphore_mem>>) src(%dma_wait3A_169 : memref<12544xf32, #tpu.memory_space<hbm>>) dst(%dma_wait3A_166 : memref<12544xf32, #tpu.memory_space<vmem>>)
      %parallel_loop3A_170 = arith.constant 0 : i32
      %parallel_loop3A_171 = arith.constant 784 : i32
      %parallel_loop3A_172 = arith.constant 1 : i32
      scf.for %parallel_loop3A_261 = %parallel_loop3A_170 to %parallel_loop3A_171 step %parallel_loop3A_172  : i32 {
        %parallel_loop3A_262 = arith.constant 16 : i32
        %parallel_loop3A_263 = arith.muli %parallel_loop3A_261, %parallel_loop3A_262 : i32
        %parallel_loop3A_264 = arith.constant 37632 : i32
        %parallel_loop3A_265 = arith.addi %parallel_loop3A_264, %parallel_loop3A_263 : i32
        %parallel_loop3A_266 = arith.index_cast %parallel_loop3A_265 : i32 to index
        %parallel_loop3A_267 = tpu.vector_load %arg5[%parallel_loop3A_266] {strides = array<i32>} : memref<100352xf32, #tpu.memory_space<vmem>>, vector<16xf32>,
        %parallel_loop3A_268 = arith.constant 5.120000e+02 : f32
        %parallel_loop3A_269 = vector.broadcast %parallel_loop3A_268 : f32 to vector<16xf32>
        %parallel_loop3A_270 = arith.mulf %parallel_loop3A_267, %parallel_loop3A_269 : vector<16xf32>
        %parallel_loop3A_271 = arith.addf %parallel_loop3A_270, %add3A_6 : vector<16xf32>
        %parallel_loop3A_272 = arith.fptosi %parallel_loop3A_271 : vector<16xf32> to vector<16xi32>
        %parallel_loop3A_273 = arith.maxsi %parallel_loop3A_272, %mul3A_9 : vector<16xi32>
        %parallel_loop3A_274 = arith.minsi %parallel_loop3A_273, %add3A_12 : vector<16xi32>
        tpu.vector_store_idx %arg6[%parallel_loop3A_274], %broadcast_in_dim3A_13 {add = true} : memref<16656xi32, #tpu.memory_space<vmem>>[vector<16xi32>], vector<16xi32>,
      } {sc.loop_unroll_factor = 8 : i64, sc.parallel_access}
      %dma_wait3A_173 = arith.constant 50176 : i32
      %dma_wait3A_174 = tpu.memref_slice %arg5[%dma_wait3A_173] : memref<100352xf32, #tpu.memory_space<vmem>> -> memref<12544xf32, #tpu.memory_space<vmem>>
      %dma_wait3A_175 = arith.constant 50176 : i32
      %dma_wait3A_176 = tpu.memref_slice %arg2[%add3A_30, %dma_wait3A_175] : memref<1024x100352xf32, #tpu.memory_space<hbm>> -> memref<1x12544xf32, #tpu.memory_space<hbm>>
      %dma_wait3A_177 = tpu.memref_squeeze %dma_wait3A_176 : memref<1x12544xf32, #tpu.memory_space<hbm>> -> memref<12544xf32, #tpu.memory_space<hbm>>
      %dma_wait3A_178 = arith.constant 50176 : i32
      %dma_wait3A_179 = tpu.memref_slice %arg5[%dma_wait3A_178] : memref<100352xf32, #tpu.memory_space<vmem>> -> memref<12544xf32, #tpu.memory_space<vmem>>
      %dma_wait3A_180 = arith.constant 50176 : i32
      %dma_wait3A_181 = tpu.memref_slice %arg2[%add3A_30, %dma_wait3A_180] : memref<1024x100352xf32, #tpu.memory_space<hbm>> -> memref<1x12544xf32, #tpu.memory_space<hbm>>
      %dma_wait3A_182 = tpu.memref_squeeze %dma_wait3A_181 : memref<1x12544xf32, #tpu.memory_space<hbm>> -> memref<12544xf32, #tpu.memory_space<hbm>>
      tpu.wait_dma2 semaphore(%arg9 : memref<!tpu.dma_semaphore, #tpu.memory_space<semaphore_mem>>) src(%dma_wait3A_182 : memref<12544xf32, #tpu.memory_space<hbm>>) dst(%dma_wait3A_179 : memref<12544xf32, #tpu.memory_space<vmem>>)
      %parallel_loop3A_183 = arith.constant 0 : i32
      %parallel_loop3A_184 = arith.constant 784 : i32
      %parallel_loop3A_185 = arith.constant 1 : i32
      scf.for %parallel_loop3A_261 = %parallel_loop3A_183 to %parallel_loop3A_184 step %parallel_loop3A_185  : i32 {
        %parallel_loop3A_262 = arith.constant 16 : i32
        %parallel_loop3A_263 = arith.muli %parallel_loop3A_261, %parallel_loop3A_262 : i32
        %parallel_loop3A_264 = arith.constant 50176 : i32
        %parallel_loop3A_265 = arith.addi %parallel_loop3A_264, %parallel_loop3A_263 : i32
        %parallel_loop3A_266 = arith.index_cast %parallel_loop3A_265 : i32 to index
        %parallel_loop3A_267 = tpu.vector_load %arg5[%parallel_loop3A_266] {strides = array<i32>} : memref<100352xf32, #tpu.memory_space<vmem>>, vector<16xf32>,
        %parallel_loop3A_268 = arith.constant 5.120000e+02 : f32
        %parallel_loop3A_269 = vector.broadcast %parallel_loop3A_268 : f32 to vector<16xf32>
        %parallel_loop3A_270 = arith.mulf %parallel_loop3A_267, %parallel_loop3A_269 : vector<16xf32>
        %parallel_loop3A_271 = arith.addf %parallel_loop3A_270, %add3A_6 : vector<16xf32>
        %parallel_loop3A_272 = arith.fptosi %parallel_loop3A_271 : vector<16xf32> to vector<16xi32>
        %parallel_loop3A_273 = arith.maxsi %parallel_loop3A_272, %mul3A_9 : vector<16xi32>
        %parallel_loop3A_274 = arith.minsi %parallel_loop3A_273, %add3A_12 : vector<16xi32>
        tpu.vector_store_idx %arg6[%parallel_loop3A_274], %broadcast_in_dim3A_13 {add = true} : memref<16656xi32, #tpu.memory_space<vmem>>[vector<16xi32>], vector<16xi32>,
      } {sc.loop_unroll_factor = 8 : i64, sc.parallel_access}
      %dma_wait3A_186 = arith.constant 62720 : i32
      %dma_wait3A_187 = tpu.memref_slice %arg5[%dma_wait3A_186] : memref<100352xf32, #tpu.memory_space<vmem>> -> memref<12544xf32, #tpu.memory_space<vmem>>
      %dma_wait3A_188 = arith.constant 62720 : i32
      %dma_wait3A_189 = tpu.memref_slice %arg2[%add3A_30, %dma_wait3A_188] : memref<1024x100352xf32, #tpu.memory_space<hbm>> -> memref<1x12544xf32, #tpu.memory_space<hbm>>
      %dma_wait3A_190 = tpu.memref_squeeze %dma_wait3A_189 : memref<1x12544xf32, #tpu.memory_space<hbm>> -> memref<12544xf32, #tpu.memory_space<hbm>>
      %dma_wait3A_191 = arith.constant 62720 : i32
      %dma_wait3A_192 = tpu.memref_slice %arg5[%dma_wait3A_191] : memref<100352xf32, #tpu.memory_space<vmem>> -> memref<12544xf32, #tpu.memory_space<vmem>>
      %dma_wait3A_193 = arith.constant 62720 : i32
      %dma_wait3A_194 = tpu.memref_slice %arg2[%add3A_30, %dma_wait3A_193] : memref<1024x100352xf32, #tpu.memory_space<hbm>> -> memref<1x12544xf32, #tpu.memory_space<hbm>>
      %dma_wait3A_195 = tpu.memref_squeeze %dma_wait3A_194 : memref<1x12544xf32, #tpu.memory_space<hbm>> -> memref<12544xf32, #tpu.memory_space<hbm>>
      tpu.wait_dma2 semaphore(%arg9 : memref<!tpu.dma_semaphore, #tpu.memory_space<semaphore_mem>>) src(%dma_wait3A_195 : memref<12544xf32, #tpu.memory_space<hbm>>) dst(%dma_wait3A_192 : memref<12544xf32, #tpu.memory_space<vmem>>)
      %parallel_loop3A_196 = arith.constant 0 : i32
      %parallel_loop3A_197 = arith.constant 784 : i32
      %parallel_loop3A_198 = arith.constant 1 : i32
      scf.for %parallel_loop3A_261 = %parallel_loop3A_196 to %parallel_loop3A_197 step %parallel_loop3A_198  : i32 {
        %parallel_loop3A_262 = arith.constant 16 : i32
        %parallel_loop3A_263 = arith.muli %parallel_loop3A_261, %parallel_loop3A_262 : i32
        %parallel_loop3A_264 = arith.constant 62720 : i32
        %parallel_loop3A_265 = arith.addi %parallel_loop3A_264, %parallel_loop3A_263 : i32
        %parallel_loop3A_266 = arith.index_cast %parallel_loop3A_265 : i32 to index
        %parallel_loop3A_267 = tpu.vector_load %arg5[%parallel_loop3A_266] {strides = array<i32>} : memref<100352xf32, #tpu.memory_space<vmem>>, vector<16xf32>,
        %parallel_loop3A_268 = arith.constant 5.120000e+02 : f32
        %parallel_loop3A_269 = vector.broadcast %parallel_loop3A_268 : f32 to vector<16xf32>
        %parallel_loop3A_270 = arith.mulf %parallel_loop3A_267, %parallel_loop3A_269 : vector<16xf32>
        %parallel_loop3A_271 = arith.addf %parallel_loop3A_270, %add3A_6 : vector<16xf32>
        %parallel_loop3A_272 = arith.fptosi %parallel_loop3A_271 : vector<16xf32> to vector<16xi32>
        %parallel_loop3A_273 = arith.maxsi %parallel_loop3A_272, %mul3A_9 : vector<16xi32>
        %parallel_loop3A_274 = arith.minsi %parallel_loop3A_273, %add3A_12 : vector<16xi32>
        tpu.vector_store_idx %arg6[%parallel_loop3A_274], %broadcast_in_dim3A_13 {add = true} : memref<16656xi32, #tpu.memory_space<vmem>>[vector<16xi32>], vector<16xi32>,
      } {sc.loop_unroll_factor = 8 : i64, sc.parallel_access}
      %dma_wait3A_199 = arith.constant 75264 : i32
      %dma_wait3A_200 = tpu.memref_slice %arg5[%dma_wait3A_199] : memref<100352xf32, #tpu.memory_space<vmem>> -> memref<12544xf32, #tpu.memory_space<vmem>>
      %dma_wait3A_201 = arith.constant 75264 : i32
      %dma_wait3A_202 = tpu.memref_slice %arg2[%add3A_30, %dma_wait3A_201] : memref<1024x100352xf32, #tpu.memory_space<hbm>> -> memref<1x12544xf32, #tpu.memory_space<hbm>>
      %dma_wait3A_203 = tpu.memref_squeeze %dma_wait3A_202 : memref<1x12544xf32, #tpu.memory_space<hbm>> -> memref<12544xf32, #tpu.memory_space<hbm>>
      %dma_wait3A_204 = arith.constant 75264 : i32
      %dma_wait3A_205 = tpu.memref_slice %arg5[%dma_wait3A_204] : memref<100352xf32, #tpu.memory_space<vmem>> -> memref<12544xf32, #tpu.memory_space<vmem>>
      %dma_wait3A_206 = arith.constant 75264 : i32
      %dma_wait3A_207 = tpu.memref_slice %arg2[%add3A_30, %dma_wait3A_206] : memref<1024x100352xf32, #tpu.memory_space<hbm>> -> memref<1x12544xf32, #tpu.memory_space<hbm>>
      %dma_wait3A_208 = tpu.memref_squeeze %dma_wait3A_207 : memref<1x12544xf32, #tpu.memory_space<hbm>> -> memref<12544xf32, #tpu.memory_space<hbm>>
      tpu.wait_dma2 semaphore(%arg9 : memref<!tpu.dma_semaphore, #tpu.memory_space<semaphore_mem>>) src(%dma_wait3A_208 : memref<12544xf32, #tpu.memory_space<hbm>>) dst(%dma_wait3A_205 : memref<12544xf32, #tpu.memory_space<vmem>>)
      %parallel_loop3A_209 = arith.constant 0 : i32
      %parallel_loop3A_210 = arith.constant 784 : i32
      %parallel_loop3A_211 = arith.constant 1 : i32
      scf.for %parallel_loop3A_261 = %parallel_loop3A_209 to %parallel_loop3A_210 step %parallel_loop3A_211  : i32 {
        %parallel_loop3A_262 = arith.constant 16 : i32
        %parallel_loop3A_263 = arith.muli %parallel_loop3A_261, %parallel_loop3A_262 : i32
        %parallel_loop3A_264 = arith.constant 75264 : i32
        %parallel_loop3A_265 = arith.addi %parallel_loop3A_264, %parallel_loop3A_263 : i32
        %parallel_loop3A_266 = arith.index_cast %parallel_loop3A_265 : i32 to index
        %parallel_loop3A_267 = tpu.vector_load %arg5[%parallel_loop3A_266] {strides = array<i32>} : memref<100352xf32, #tpu.memory_space<vmem>>, vector<16xf32>,
        %parallel_loop3A_268 = arith.constant 5.120000e+02 : f32
        %parallel_loop3A_269 = vector.broadcast %parallel_loop3A_268 : f32 to vector<16xf32>
        %parallel_loop3A_270 = arith.mulf %parallel_loop3A_267, %parallel_loop3A_269 : vector<16xf32>
        %parallel_loop3A_271 = arith.addf %parallel_loop3A_270, %add3A_6 : vector<16xf32>
        %parallel_loop3A_272 = arith.fptosi %parallel_loop3A_271 : vector<16xf32> to vector<16xi32>
        %parallel_loop3A_273 = arith.maxsi %parallel_loop3A_272, %mul3A_9 : vector<16xi32>
        %parallel_loop3A_274 = arith.minsi %parallel_loop3A_273, %add3A_12 : vector<16xi32>
        tpu.vector_store_idx %arg6[%parallel_loop3A_274], %broadcast_in_dim3A_13 {add = true} : memref<16656xi32, #tpu.memory_space<vmem>>[vector<16xi32>], vector<16xi32>,
      } {sc.loop_unroll_factor = 8 : i64, sc.parallel_access}
      %dma_wait3A_212 = arith.constant 87808 : i32
      %dma_wait3A_213 = tpu.memref_slice %arg5[%dma_wait3A_212] : memref<100352xf32, #tpu.memory_space<vmem>> -> memref<12544xf32, #tpu.memory_space<vmem>>
      %dma_wait3A_214 = arith.constant 87808 : i32
      %dma_wait3A_215 = tpu.memref_slice %arg2[%add3A_30, %dma_wait3A_214] : memref<1024x100352xf32, #tpu.memory_space<hbm>> -> memref<1x12544xf32, #tpu.memory_space<hbm>>
      %dma_wait3A_216 = tpu.memref_squeeze %dma_wait3A_215 : memref<1x12544xf32, #tpu.memory_space<hbm>> -> memref<12544xf32, #tpu.memory_space<hbm>>
      %dma_wait3A_217 = arith.constant 87808 : i32
      %dma_wait3A_218 = tpu.memref_slice %arg5[%dma_wait3A_217] : memref<100352xf32, #tpu.memory_space<vmem>> -> memref<12544xf32, #tpu.memory_space<vmem>>
      %dma_wait3A_219 = arith.constant 87808 : i32
      %dma_wait3A_220 = tpu.memref_slice %arg2[%add3A_30, %dma_wait3A_219] : memref<1024x100352xf32, #tpu.memory_space<hbm>> -> memref<1x12544xf32, #tpu.memory_space<hbm>>
      %dma_wait3A_221 = tpu.memref_squeeze %dma_wait3A_220 : memref<1x12544xf32, #tpu.memory_space<hbm>> -> memref<12544xf32, #tpu.memory_space<hbm>>
      tpu.wait_dma2 semaphore(%arg9 : memref<!tpu.dma_semaphore, #tpu.memory_space<semaphore_mem>>) src(%dma_wait3A_221 : memref<12544xf32, #tpu.memory_space<hbm>>) dst(%dma_wait3A_218 : memref<12544xf32, #tpu.memory_space<vmem>>)
      %parallel_loop3A_222 = arith.constant 0 : i32
      %parallel_loop3A_223 = arith.constant 784 : i32
      %parallel_loop3A_224 = arith.constant 1 : i32
      scf.for %parallel_loop3A_261 = %parallel_loop3A_222 to %parallel_loop3A_223 step %parallel_loop3A_224  : i32 {
        %parallel_loop3A_262 = arith.constant 16 : i32
        %parallel_loop3A_263 = arith.muli %parallel_loop3A_261, %parallel_loop3A_262 : i32
        %parallel_loop3A_264 = arith.constant 87808 : i32
        %parallel_loop3A_265 = arith.addi %parallel_loop3A_264, %parallel_loop3A_263 : i32
        %parallel_loop3A_266 = arith.index_cast %parallel_loop3A_265 : i32 to index
        %parallel_loop3A_267 = tpu.vector_load %arg5[%parallel_loop3A_266] {strides = array<i32>} : memref<100352xf32, #tpu.memory_space<vmem>>, vector<16xf32>,
        %parallel_loop3A_268 = arith.constant 5.120000e+02 : f32
        %parallel_loop3A_269 = vector.broadcast %parallel_loop3A_268 : f32 to vector<16xf32>
        %parallel_loop3A_270 = arith.mulf %parallel_loop3A_267, %parallel_loop3A_269 : vector<16xf32>
        %parallel_loop3A_271 = arith.addf %parallel_loop3A_270, %add3A_6 : vector<16xf32>
        %parallel_loop3A_272 = arith.fptosi %parallel_loop3A_271 : vector<16xf32> to vector<16xi32>
        %parallel_loop3A_273 = arith.maxsi %parallel_loop3A_272, %mul3A_9 : vector<16xi32>
        %parallel_loop3A_274 = arith.minsi %parallel_loop3A_273, %add3A_12 : vector<16xi32>
        tpu.vector_store_idx %arg6[%parallel_loop3A_274], %broadcast_in_dim3A_13 {add = true} : memref<16656xi32, #tpu.memory_space<vmem>>[vector<16xi32>], vector<16xi32>,
      } {sc.loop_unroll_factor = 8 : i64, sc.parallel_access}
      %scan3A_225 = arith.constant 0 : i32
      %scan3A_226 = arith.constant 0 : i32
      %scan3A_227 = arith.constant 0 : i32
      %scan3A_228 = arith.constant 64 : i32
      %scan3A_229 = arith.addi %scan3A_227, %scan3A_228 : i32
      %scan3A_230 = arith.constant 1 : i32
      %scan3A_231:2 = scf.for %scan3A_261 = %scan3A_227 to %scan3A_229 step %scan3A_230 iter_args(%scan3A_262 = %scan3A_225, %scan3A_263 = %scan3A_226) -> (i32, i32)  : i32 {
        %sub3A_264 = arith.constant 63 : i32
        %sub3A_265 = arith.subi %sub3A_264, %scan3A_261 : i32
        %mul3A_266 = arith.constant 16 : i32
        %mul3A_267 = arith.muli %sub3A_265, %mul3A_266 : i32
        %add3A_268 = arith.constant 0 : i32
        %add3A_269 = arith.addi %add3A_268, %mul3A_267 : i32
        %get3A = arith.index_cast %add3A_269 : i32 to index
        %get3A_270 = tpu.vector_load %arg6[%get3A] {strides = array<i32>} : memref<16656xi32, #tpu.memory_space<vmem>>, vector<16xi32>,
        %add3A_271 = arith.addi %broadcast_in_dim3A_15, %get3A_270 : vector<16xi32>
        %mul3A_272 = arith.constant 16 : i32
        %mul3A_273 = arith.muli %sub3A_265, %mul3A_272 : i32
        %add3A_274 = arith.constant 1041 : i32
        %add3A_275 = arith.addi %add3A_274, %mul3A_273 : i32
        %get3A_276 = arith.index_cast %add3A_275 : i32 to index
        %get3A_277 = tpu.vector_load %arg6[%get3A_276] {strides = array<i32>} : memref<16656xi32, #tpu.memory_space<vmem>>, vector<16xi32>,
        %add3A_278 = arith.addi %add3A_271, %get3A_277 : vector<16xi32>
        %mul3A_279 = arith.constant 16 : i32
        %mul3A_280 = arith.muli %sub3A_265, %mul3A_279 : i32
        %add3A_281 = arith.constant 2082 : i32
        %add3A_282 = arith.addi %add3A_281, %mul3A_280 : i32
        %get3A_283 = arith.index_cast %add3A_282 : i32 to index
        %get3A_284 = tpu.vector_load %arg6[%get3A_283] {strides = array<i32>} : memref<16656xi32, #tpu.memory_space<vmem>>, vector<16xi32>,
        %add3A_285 = arith.addi %add3A_278, %get3A_284 : vector<16xi32>
        %mul3A_286 = arith.constant 16 : i32
        %mul3A_287 = arith.muli %sub3A_265, %mul3A_286 : i32
        %add3A_288 = arith.constant 3123 : i32
        %add3A_289 = arith.addi %add3A_288, %mul3A_287 : i32
        %get3A_290 = arith.index_cast %add3A_289 : i32 to index
        %get3A_291 = tpu.vector_load %arg6[%get3A_290] {strides = array<i32>} : memref<16656xi32, #tpu.memory_space<vmem>>, vector<16xi32>,
        %add3A_292 = arith.addi %add3A_285, %get3A_291 : vector<16xi32>
        %mul3A_293 = arith.constant 16 : i32
        %mul3A_294 = arith.muli %sub3A_265, %mul3A_293 : i32
        %add3A_295 = arith.constant 4164 : i32
        %add3A_296 = arith.addi %add3A_295, %mul3A_294 : i32
        %get3A_297 = arith.index_cast %add3A_296 : i32 to index
        %get3A_298 = tpu.vector_load %arg6[%get3A_297] {strides = array<i32>} : memref<16656xi32, #tpu.memory_space<vmem>>, vector<16xi32>,
        %add3A_299 = arith.addi %add3A_292, %get3A_298 : vector<16xi32>
        %mul3A_300 = arith.constant 16 : i32
        %mul3A_301 = arith.muli %sub3A_265, %mul3A_300 : i32
        %add3A_302 = arith.constant 5205 : i32
        %add3A_303 = arith.addi %add3A_302, %mul3A_301 : i32
        %get3A_304 = arith.index_cast %add3A_303 : i32 to index
        %get3A_305 = tpu.vector_load %arg6[%get3A_304] {strides = array<i32>} : memref<16656xi32, #tpu.memory_space<vmem>>, vector<16xi32>,
        %add3A_306 = arith.addi %add3A_299, %get3A_305 : vector<16xi32>
        %mul3A_307 = arith.constant 16 : i32
        %mul3A_308 = arith.muli %sub3A_265, %mul3A_307 : i32
        %add3A_309 = arith.constant 6246 : i32
        %add3A_310 = arith.addi %add3A_309, %mul3A_308 : i32
        %get3A_311 = arith.index_cast %add3A_310 : i32 to index
        %get3A_312 = tpu.vector_load %arg6[%get3A_311] {strides = array<i32>} : memref<16656xi32, #tpu.memory_space<vmem>>, vector<16xi32>,
        %add3A_313 = arith.addi %add3A_306, %get3A_312 : vector<16xi32>
        %mul3A_314 = arith.constant 16 : i32
        %mul3A_315 = arith.muli %sub3A_265, %mul3A_314 : i32
        %add3A_316 = arith.constant 7287 : i32
        %add3A_317 = arith.addi %add3A_316, %mul3A_315 : i32
        %get3A_318 = arith.index_cast %add3A_317 : i32 to index
        %get3A_319 = tpu.vector_load %arg6[%get3A_318] {strides = array<i32>} : memref<16656xi32, #tpu.memory_space<vmem>>, vector<16xi32>,
        %add3A_320 = arith.addi %add3A_313, %get3A_319 : vector<16xi32>
        %mul3A_321 = arith.constant 16 : i32
        %mul3A_322 = arith.muli %sub3A_265, %mul3A_321 : i32
        %add3A_323 = arith.constant 8328 : i32
        %add3A_324 = arith.addi %add3A_323, %mul3A_322 : i32
        %get3A_325 = arith.index_cast %add3A_324 : i32 to index
        %get3A_326 = tpu.vector_load %arg6[%get3A_325] {strides = array<i32>} : memref<16656xi32, #tpu.memory_space<vmem>>, vector<16xi32>,
        %add3A_327 = arith.addi %add3A_320, %get3A_326 : vector<16xi32>
        %mul3A_328 = arith.constant 16 : i32
        %mul3A_329 = arith.muli %sub3A_265, %mul3A_328 : i32
        %add3A_330 = arith.constant 9369 : i32
        %add3A_331 = arith.addi %add3A_330, %mul3A_329 : i32
        %get3A_332 = arith.index_cast %add3A_331 : i32 to index
        %get3A_333 = tpu.vector_load %arg6[%get3A_332] {strides = array<i32>} : memref<16656xi32, #tpu.memory_space<vmem>>, vector<16xi32>,
        %add3A_334 = arith.addi %add3A_327, %get3A_333 : vector<16xi32>
        %mul3A_335 = arith.constant 16 : i32
        %mul3A_336 = arith.muli %sub3A_265, %mul3A_335 : i32
        %add3A_337 = arith.constant 10410 : i32
        %add3A_338 = arith.addi %add3A_337, %mul3A_336 : i32
        %get3A_339 = arith.index_cast %add3A_338 : i32 to index
        %get3A_340 = tpu.vector_load %arg6[%get3A_339] {strides = array<i32>} : memref<16656xi32, #tpu.memory_space<vmem>>, vector<16xi32>,
        %add3A_341 = arith.addi %add3A_334, %get3A_340 : vector<16xi32>
        %mul3A_342 = arith.constant 16 : i32
        %mul3A_343 = arith.muli %sub3A_265, %mul3A_342 : i32
        %add3A_344 = arith.constant 11451 : i32
        %add3A_345 = arith.addi %add3A_344, %mul3A_343 : i32
        %get3A_346 = arith.index_cast %add3A_345 : i32 to index
        %get3A_347 = tpu.vector_load %arg6[%get3A_346] {strides = array<i32>} : memref<16656xi32, #tpu.memory_space<vmem>>, vector<16xi32>,
        %add3A_348 = arith.addi %add3A_341, %get3A_347 : vector<16xi32>
        %mul3A_349 = arith.constant 16 : i32
        %mul3A_350 = arith.muli %sub3A_265, %mul3A_349 : i32
        %add3A_351 = arith.constant 12492 : i32
        %add3A_352 = arith.addi %add3A_351, %mul3A_350 : i32
        %get3A_353 = arith.index_cast %add3A_352 : i32 to index
        %get3A_354 = tpu.vector_load %arg6[%get3A_353] {strides = array<i32>} : memref<16656xi32, #tpu.memory_space<vmem>>, vector<16xi32>,
        %add3A_355 = arith.addi %add3A_348, %get3A_354 : vector<16xi32>
        %mul3A_356 = arith.constant 16 : i32
        %mul3A_357 = arith.muli %sub3A_265, %mul3A_356 : i32
        %add3A_358 = arith.constant 13533 : i32
        %add3A_359 = arith.addi %add3A_358, %mul3A_357 : i32
        %get3A_360 = arith.index_cast %add3A_359 : i32 to index
        %get3A_361 = tpu.vector_load %arg6[%get3A_360] {strides = array<i32>} : memref<16656xi32, #tpu.memory_space<vmem>>, vector<16xi32>,
        %add3A_362 = arith.addi %add3A_355, %get3A_361 : vector<16xi32>
        %mul3A_363 = arith.constant 16 : i32
        %mul3A_364 = arith.muli %sub3A_265, %mul3A_363 : i32
        %add3A_365 = arith.constant 14574 : i32
        %add3A_366 = arith.addi %add3A_365, %mul3A_364 : i32
        %get3A_367 = arith.index_cast %add3A_366 : i32 to index
        %get3A_368 = tpu.vector_load %arg6[%get3A_367] {strides = array<i32>} : memref<16656xi32, #tpu.memory_space<vmem>>, vector<16xi32>,
        %add3A_369 = arith.addi %add3A_362, %get3A_368 : vector<16xi32>
        %mul3A_370 = arith.constant 16 : i32
        %mul3A_371 = arith.muli %sub3A_265, %mul3A_370 : i32
        %add3A_372 = arith.constant 15615 : i32
        %add3A_373 = arith.addi %add3A_372, %mul3A_371 : i32
        %get3A_374 = arith.index_cast %add3A_373 : i32 to index
        %get3A_375 = tpu.vector_load %arg6[%get3A_374] {strides = array<i32>} : memref<16656xi32, #tpu.memory_space<vmem>>, vector<16xi32>,
        %add3A_376 = arith.addi %add3A_369, %get3A_375 : vector<16xi32>
        %rev3A = arith.constant 15 : i32
        %rev3A_377 = vector.broadcast %rev3A : i32 to vector<16xi32>
        %rev3A_378 = tpu.iota {dimensions = array<i32: 0>} : vector<16xi32>
        %rev3A_379 = arith.subi %rev3A_377, %rev3A_378 : vector<16xi32>
        %rev3A_380 = tpu.dynamic_gather %add3A_376[%rev3A_379] in [0] : vector<16xi32>, vector<16xi32> -> vector<16xi32>
        %cumsum3A = arith.constant true
        %cumsum3A_381 = vector.broadcast %cumsum3A : i1 to vector<16xi1>
        %cumsum3A_382 = tpu.scan <sum>, %rev3A_380 masked %cumsum3A_381 : vector<16xi32>, vector<16xi1> -> vector<16xi32>
        %rev3A_383 = arith.constant 15 : i32
        %rev3A_384 = vector.broadcast %rev3A_383 : i32 to vector<16xi32>
        %rev3A_385 = tpu.iota {dimensions = array<i32: 0>} : vector<16xi32>
        %rev3A_386 = arith.subi %rev3A_384, %rev3A_385 : vector<16xi32>
        %rev3A_387 = tpu.dynamic_gather %cumsum3A_382[%rev3A_386] in [0] : vector<16xi32>, vector<16xi32> -> vector<16xi32>
        %add3A_388 = vector.broadcast %scan3A_262 : i32 to vector<16xi32>
        %add3A_389 = arith.addi %rev3A_387, %add3A_388 : vector<16xi32>
        %ge3A = arith.constant 552 : i32
        %ge3A_390 = vector.broadcast %ge3A : i32 to vector<16xi32>
        %ge3A_391 = arith.cmpi sge, %add3A_389, %ge3A_390 : vector<16xi32>
        %convert_element_type3A_392 = arith.extui %ge3A_391 : vector<16xi1> to vector<16xi32>
        %reduce_sum3A = arith.constant true
        %reduce_sum3A_393 = vector.broadcast %reduce_sum3A : i1 to vector<16xi1>
        %reduce_sum3A_394 = tpu.scan <sum>, %convert_element_type3A_392 masked %reduce_sum3A_393 : vector<16xi32>, vector<16xi1> -> vector<16xi32>
        %reduce_sum3A_395 = vector.extract %reduce_sum3A_394[15] : i32 from vector<16xi32>
        %add3A_396 = arith.addi %scan3A_263, %reduce_sum3A_395 : i32
        %reduce_sum3A_397 = arith.constant true
        %reduce_sum3A_398 = vector.broadcast %reduce_sum3A_397 : i1 to vector<16xi1>
        %reduce_sum3A_399 = tpu.scan <sum>, %add3A_376 masked %reduce_sum3A_398 : vector<16xi32>, vector<16xi1> -> vector<16xi32>
        %reduce_sum3A_400 = vector.extract %reduce_sum3A_399[15] : i32 from vector<16xi32>
        %add3A_401 = arith.addi %scan3A_262, %reduce_sum3A_400 : i32
        scf.yield %add3A_401, %add3A_396 : i32, i32
      }
      %scan3A_232 = arith.constant 64 : i32
      %sub3A = arith.constant 1 : i32
      %sub3A_233 = arith.subi %scan3A_231#1, %sub3A : i32
      %broadcast_in_dim3A_234 = arith.constant -3.000000e+00 : f32
      %broadcast_in_dim3A_235 = vector.broadcast %broadcast_in_dim3A_234 : f32 to vector<16xf32>
      %scan3A_236 = arith.constant 0 : i32
      %scan3A_237 = arith.constant 0 : i32
      %scan3A_238 = arith.constant 64 : i32
      %scan3A_239 = arith.addi %scan3A_237, %scan3A_238 : i32
      %scan3A_240 = arith.constant 4 : i32
      %scan3A_241 = scf.for %scan3A_261 = %scan3A_237 to %scan3A_239 step %scan3A_240 iter_args(%scan3A_262 = %scan3A_236) -> (i32)  : i32 {
        %mul3A_263 = arith.constant 16 : i32
        %mul3A_264 = arith.muli %scan3A_261, %mul3A_263 : i32
        %swap3A_265 = arith.index_cast %mul3A_264 : i32 to index
        %swap3A_266 = tpu.vector_load %arg7[%swap3A_265] {strides = array<i32>} : memref<1040xi32, #tpu.memory_space<vmem>>, vector<16xi32>,
        tpu.vector_store %arg7[%swap3A_265], %broadcast_in_dim3A_17 {strides = array<i32>} : memref<1040xi32, #tpu.memory_space<vmem>>, vector<16xi32>,
        %mul3A_267 = arith.constant 16 : i32
        %mul3A_268 = arith.muli %scan3A_261, %mul3A_267 : i32
        %swap3A_269 = arith.index_cast %mul3A_268 : i32 to index
        %swap3A_270 = tpu.vector_load %arg8[%swap3A_269] {strides = array<i32>} : memref<1040xf32, #tpu.memory_space<vmem>>, vector<16xf32>,
        tpu.vector_store %arg8[%swap3A_269], %broadcast_in_dim3A_235 {strides = array<i32>} : memref<1040xf32, #tpu.memory_space<vmem>>, vector<16xf32>,
        %scan3A_271 = arith.constant 0 : i32
        %scan3A_272 = arith.constant 1 : i32
        %scan3A_273 = arith.addi %scan3A_261, %scan3A_272 : i32
        %mul3A_274 = arith.constant 16 : i32
        %mul3A_275 = arith.muli %scan3A_273, %mul3A_274 : i32
        %swap3A_276 = arith.index_cast %mul3A_275 : i32 to index
        %swap3A_277 = tpu.vector_load %arg7[%swap3A_276] {strides = array<i32>} : memref<1040xi32, #tpu.memory_space<vmem>>, vector<16xi32>,
        tpu.vector_store %arg7[%swap3A_276], %broadcast_in_dim3A_17 {strides = array<i32>} : memref<1040xi32, #tpu.memory_space<vmem>>, vector<16xi32>,
        %mul3A_278 = arith.constant 16 : i32
        %mul3A_279 = arith.muli %scan3A_273, %mul3A_278 : i32
        %swap3A_280 = arith.index_cast %mul3A_279 : i32 to index
        %swap3A_281 = tpu.vector_load %arg8[%swap3A_280] {strides = array<i32>} : memref<1040xf32, #tpu.memory_space<vmem>>, vector<16xf32>,
        tpu.vector_store %arg8[%swap3A_280], %broadcast_in_dim3A_235 {strides = array<i32>} : memref<1040xf32, #tpu.memory_space<vmem>>, vector<16xf32>,
        %scan3A_282 = arith.constant 0 : i32
        %scan3A_283 = arith.constant 2 : i32
        %scan3A_284 = arith.addi %scan3A_261, %scan3A_283 : i32
        %mul3A_285 = arith.constant 16 : i32
        %mul3A_286 = arith.muli %scan3A_284, %mul3A_285 : i32
        %swap3A_287 = arith.index_cast %mul3A_286 : i32 to index
        %swap3A_288 = tpu.vector_load %arg7[%swap3A_287] {strides = array<i32>} : memref<1040xi32, #tpu.memory_space<vmem>>, vector<16xi32>,
        tpu.vector_store %arg7[%swap3A_287], %broadcast_in_dim3A_17 {strides = array<i32>} : memref<1040xi32, #tpu.memory_space<vmem>>, vector<16xi32>,
        %mul3A_289 = arith.constant 16 : i32
        %mul3A_290 = arith.muli %scan3A_284, %mul3A_289 : i32
        %swap3A_291 = arith.index_cast %mul3A_290 : i32 to index
        %swap3A_292 = tpu.vector_load %arg8[%swap3A_291] {strides = array<i32>} : memref<1040xf32, #tpu.memory_space<vmem>>, vector<16xf32>,
        tpu.vector_store %arg8[%swap3A_291], %broadcast_in_dim3A_235 {strides = array<i32>} : memref<1040xf32, #tpu.memory_space<vmem>>, vector<16xf32>,
        %scan3A_293 = arith.constant 0 : i32
        %scan3A_294 = arith.constant 3 : i32
        %scan3A_295 = arith.addi %scan3A_261, %scan3A_294 : i32
        %mul3A_296 = arith.constant 16 : i32
        %mul3A_297 = arith.muli %scan3A_295, %mul3A_296 : i32
        %swap3A_298 = arith.index_cast %mul3A_297 : i32 to index
        %swap3A_299 = tpu.vector_load %arg7[%swap3A_298] {strides = array<i32>} : memref<1040xi32, #tpu.memory_space<vmem>>, vector<16xi32>,
        tpu.vector_store %arg7[%swap3A_298], %broadcast_in_dim3A_17 {strides = array<i32>} : memref<1040xi32, #tpu.memory_space<vmem>>, vector<16xi32>,
        %mul3A_300 = arith.constant 16 : i32
        %mul3A_301 = arith.muli %scan3A_295, %mul3A_300 : i32
        %swap3A_302 = arith.index_cast %mul3A_301 : i32 to index
        %swap3A_303 = tpu.vector_load %arg8[%swap3A_302] {strides = array<i32>} : memref<1040xf32, #tpu.memory_space<vmem>>, vector<16xf32>,
        tpu.vector_store %arg8[%swap3A_302], %broadcast_in_dim3A_235 {strides = array<i32>} : memref<1040xf32, #tpu.memory_space<vmem>>, vector<16xf32>,
        %scan3A_304 = arith.constant 0 : i32
        scf.yield %scan3A_304 : i32
      }
      %scan3A_242 = arith.constant 64 : i32
      %scan3A_243 = arith.addi %scan3A_237, %scan3A_242 : i32
      %mul3A_244 = arith.constant 16 : i32
      %mul3A_245 = arith.muli %scan3A_243, %mul3A_244 : i32
      %swap3A_246 = arith.index_cast %mul3A_245 : i32 to index
      %swap3A_247 = tpu.vector_load %arg7[%swap3A_246] {strides = array<i32>} : memref<1040xi32, #tpu.memory_space<vmem>>, vector<16xi32>,
      tpu.vector_store %arg7[%swap3A_246], %broadcast_in_dim3A_17 {strides = array<i32>} : memref<1040xi32, #tpu.memory_space<vmem>>, vector<16xi32>,
      %mul3A_248 = arith.constant 16 : i32
      %mul3A_249 = arith.muli %scan3A_243, %mul3A_248 : i32
      %swap3A_250 = arith.index_cast %mul3A_249 : i32 to index
      %swap3A_251 = tpu.vector_load %arg8[%swap3A_250] {strides = array<i32>} : memref<1040xf32, #tpu.memory_space<vmem>>, vector<16xf32>,
      tpu.vector_store %arg8[%swap3A_250], %broadcast_in_dim3A_235 {strides = array<i32>} : memref<1040xf32, #tpu.memory_space<vmem>>, vector<16xf32>,
      %scan3A_252 = arith.constant 0 : i32
      %scan3A_253 = arith.constant 65 : i32
      %broadcast_in_dim3A_254 = arith.constant -1 : i32
      %broadcast_in_dim3A_255 = vector.broadcast %broadcast_in_dim3A_254 : i32 to vector<16xi32>
      %parallel_loop3A_256 = arith.constant 0 : i32
      %parallel_loop3A_257 = arith.constant 6272 : i32
      %parallel_loop3A_258 = arith.constant 1 : i32
      %parallel_loop3A_259:2 = scf.for %parallel_loop3A_261 = %parallel_loop3A_256 to %parallel_loop3A_257 step %parallel_loop3A_258 iter_args(%parallel_loop3A_262 = %broadcast_in_dim3A_255, %parallel_loop3A_263 = %iota3A) -> (vector<16xi32>, vector<16xi32>)  : i32 {
        %parallel_loop3A_264 = arith.constant 16 : i32
        %parallel_loop3A_265 = arith.muli %parallel_loop3A_261, %parallel_loop3A_264 : i32
        %parallel_loop3A_266 = arith.index_cast %parallel_loop3A_265 : i32 to index
        %parallel_loop3A_267 = tpu.vector_load %arg5[%parallel_loop3A_266] {strides = array<i32>} : memref<100352xf32, #tpu.memory_space<vmem>>, vector<16xf32>,
        %parallel_loop3A_268 = arith.constant 5.120000e+02 : f32
        %parallel_loop3A_269 = vector.broadcast %parallel_loop3A_268 : f32 to vector<16xf32>
        %parallel_loop3A_270 = arith.mulf %parallel_loop3A_267, %parallel_loop3A_269 : vector<16xf32>
        %parallel_loop3A_271 = arith.constant 5.120000e+02 : f32
        %parallel_loop3A_272 = vector.broadcast %parallel_loop3A_271 : f32 to vector<16xf32>
        %parallel_loop3A_273 = arith.addf %parallel_loop3A_270, %parallel_loop3A_272 : vector<16xf32>
        %parallel_loop3A_274 = arith.fptosi %parallel_loop3A_273 : vector<16xf32> to vector<16xi32>
        %parallel_loop3A_275 = vector.broadcast %sub3A_233 : i32 to vector<16xi32>
        %parallel_loop3A_276 = arith.cmpi sge, %parallel_loop3A_274, %parallel_loop3A_275 : vector<16xi32>
        %parallel_loop3A_277 = tpu.scan <sum>, %broadcast_in_dim3A_13 masked %parallel_loop3A_276 : vector<16xi32>, vector<16xi1> -> vector<16xi32>
        %parallel_loop3A_278 = arith.addi %parallel_loop3A_262, %parallel_loop3A_277 : vector<16xi32>
        %parallel_loop3A_279 = arith.minsi %parallel_loop3A_278, %broadcast_in_dim3A_19 : vector<16xi32>
        tpu.vector_store_idx %arg7[%parallel_loop3A_279], %parallel_loop3A_263 masked %parallel_loop3A_276 : memref<1040xi32, #tpu.memory_space<vmem>>[vector<16xi32>], vector<16xi32>, vector<16xi1>
        tpu.vector_store_idx %arg8[%parallel_loop3A_279], %parallel_loop3A_267 masked %parallel_loop3A_276 : memref<1040xf32, #tpu.memory_space<vmem>>[vector<16xi32>], vector<16xf32>, vector<16xi1>
        %parallel_loop3A_280 = tpu.all_reduce %parallel_loop3A_276 {dim = 0 : i64, kind = #tpu.reduction_kind<sum>} : vector<16xi1> -> vector<16xi32>
        %parallel_loop3A_281 = arith.addi %parallel_loop3A_262, %parallel_loop3A_280 : vector<16xi32>
        %parallel_loop3A_282 = arith.constant 16 : i32
        %parallel_loop3A_283 = vector.broadcast %parallel_loop3A_282 : i32 to vector<16xi32>
        %parallel_loop3A_284 = arith.addi %parallel_loop3A_263, %parallel_loop3A_283 : vector<16xi32>
        scf.yield %parallel_loop3A_281, %parallel_loop3A_284 : vector<16xi32>, vector<16xi32>
      } {sc.loop_unroll_factor = 8 : i64, sc.parallel_access}
      "tpu.region"() ({
        %run_scoped3A = tpu.sem_alloc : memref<!tpu.dma_semaphore, #tpu.memory_space<semaphore_mem>>
        %dma_start3A_261 = arith.constant 0 : i32
        %dma_start3A_262 = tpu.memref_slice %arg7[%dma_start3A_261] : memref<1040xi32, #tpu.memory_space<vmem>> -> memref<1024xi32, #tpu.memory_space<vmem>>
        %dma_start3A_263 = arith.constant 0 : i32
        %dma_start3A_264 = tpu.memref_slice %arg3[%add3A_30, %dma_start3A_263] : memref<1024x1024xi32, #tpu.memory_space<hbm>> -> memref<1x1024xi32, #tpu.memory_space<hbm>>
        %dma_start3A_265 = tpu.memref_squeeze %dma_start3A_264 : memref<1x1024xi32, #tpu.memory_space<hbm>> -> memref<1024xi32, #tpu.memory_space<hbm>>
        %dma_start3A_266 = arith.constant 0 : i32
        %dma_start3A_267 = tpu.memref_slice %arg3[%add3A_30, %dma_start3A_266] : memref<1024x1024xi32, #tpu.memory_space<hbm>> -> memref<1x1024xi32, #tpu.memory_space<hbm>>
        %dma_start3A_268 = tpu.memref_squeeze %dma_start3A_267 : memref<1x1024xi32, #tpu.memory_space<hbm>> -> memref<1024xi32, #tpu.memory_space<hbm>>
        %dma_start3A_269 = arith.constant 0 : i32
        %dma_start3A_270 = tpu.memref_slice %arg7[%dma_start3A_269] : memref<1040xi32, #tpu.memory_space<vmem>> -> memref<1024xi32, #tpu.memory_space<vmem>>
        tpu.enqueue_dma source(%dma_start3A_270 : memref<1024xi32, #tpu.memory_space<vmem>>) target(%dma_start3A_268 : memref<1024xi32, #tpu.memory_space<hbm>>) target_semaphore(%run_scoped3A : memref<!tpu.dma_semaphore, #tpu.memory_space<semaphore_mem>>)
        %dma_wait3A_271 = arith.constant 0 : i32
        %dma_wait3A_272 = tpu.memref_slice %arg7[%dma_wait3A_271] : memref<1040xi32, #tpu.memory_space<vmem>> -> memref<1024xi32, #tpu.memory_space<vmem>>
        %dma_wait3A_273 = arith.constant 0 : i32
        %dma_wait3A_274 = tpu.memref_slice %arg3[%add3A_30, %dma_wait3A_273] : memref<1024x1024xi32, #tpu.memory_space<hbm>> -> memref<1x1024xi32, #tpu.memory_space<hbm>>
        %dma_wait3A_275 = tpu.memref_squeeze %dma_wait3A_274 : memref<1x1024xi32, #tpu.memory_space<hbm>> -> memref<1024xi32, #tpu.memory_space<hbm>>
        %dma_wait3A_276 = arith.constant 0 : i32
        %dma_wait3A_277 = tpu.memref_slice %arg3[%add3A_30, %dma_wait3A_276] : memref<1024x1024xi32, #tpu.memory_space<hbm>> -> memref<1x1024xi32, #tpu.memory_space<hbm>>
        %dma_wait3A_278 = tpu.memref_squeeze %dma_wait3A_277 : memref<1x1024xi32, #tpu.memory_space<hbm>> -> memref<1024xi32, #tpu.memory_space<hbm>>
        %dma_wait3A_279 = arith.constant 0 : i32
        %dma_wait3A_280 = tpu.memref_slice %arg7[%dma_wait3A_279] : memref<1040xi32, #tpu.memory_space<vmem>> -> memref<1024xi32, #tpu.memory_space<vmem>>
        tpu.wait_dma2 semaphore(%run_scoped3A : memref<!tpu.dma_semaphore, #tpu.memory_space<semaphore_mem>>) src(%dma_wait3A_280 : memref<1024xi32, #tpu.memory_space<vmem>>) dst(%dma_wait3A_278 : memref<1024xi32, #tpu.memory_space<hbm>>)
        tpu.yield
      }) : () -> ()
      "tpu.region"() ({
        %run_scoped3A = tpu.sem_alloc : memref<!tpu.dma_semaphore, #tpu.memory_space<semaphore_mem>>
        %dma_start3A_261 = arith.constant 0 : i32
        %dma_start3A_262 = tpu.memref_slice %arg8[%dma_start3A_261] : memref<1040xf32, #tpu.memory_space<vmem>> -> memref<1024xf32, #tpu.memory_space<vmem>>
        %dma_start3A_263 = arith.constant 0 : i32
        %dma_start3A_264 = tpu.memref_slice %arg4[%add3A_30, %dma_start3A_263] : memref<1024x1024xf32, #tpu.memory_space<hbm>> -> memref<1x1024xf32, #tpu.memory_space<hbm>>
        %dma_start3A_265 = tpu.memref_squeeze %dma_start3A_264 : memref<1x1024xf32, #tpu.memory_space<hbm>> -> memref<1024xf32, #tpu.memory_space<hbm>>
        %dma_start3A_266 = arith.constant 0 : i32
        %dma_start3A_267 = tpu.memref_slice %arg4[%add3A_30, %dma_start3A_266] : memref<1024x1024xf32, #tpu.memory_space<hbm>> -> memref<1x1024xf32, #tpu.memory_space<hbm>>
        %dma_start3A_268 = tpu.memref_squeeze %dma_start3A_267 : memref<1x1024xf32, #tpu.memory_space<hbm>> -> memref<1024xf32, #tpu.memory_space<hbm>>
        %dma_start3A_269 = arith.constant 0 : i32
        %dma_start3A_270 = tpu.memref_slice %arg8[%dma_start3A_269] : memref<1040xf32, #tpu.memory_space<vmem>> -> memref<1024xf32, #tpu.memory_space<vmem>>
        tpu.enqueue_dma source(%dma_start3A_270 : memref<1024xf32, #tpu.memory_space<vmem>>) target(%dma_start3A_268 : memref<1024xf32, #tpu.memory_space<hbm>>) target_semaphore(%run_scoped3A : memref<!tpu.dma_semaphore, #tpu.memory_space<semaphore_mem>>)
        %dma_wait3A_271 = arith.constant 0 : i32
        %dma_wait3A_272 = tpu.memref_slice %arg8[%dma_wait3A_271] : memref<1040xf32, #tpu.memory_space<vmem>> -> memref<1024xf32, #tpu.memory_space<vmem>>
        %dma_wait3A_273 = arith.constant 0 : i32
        %dma_wait3A_274 = tpu.memref_slice %arg4[%add3A_30, %dma_wait3A_273] : memref<1024x1024xf32, #tpu.memory_space<hbm>> -> memref<1x1024xf32, #tpu.memory_space<hbm>>
        %dma_wait3A_275 = tpu.memref_squeeze %dma_wait3A_274 : memref<1x1024xf32, #tpu.memory_space<hbm>> -> memref<1024xf32, #tpu.memory_space<hbm>>
        %dma_wait3A_276 = arith.constant 0 : i32
        %dma_wait3A_277 = tpu.memref_slice %arg4[%add3A_30, %dma_wait3A_276] : memref<1024x1024xf32, #tpu.memory_space<hbm>> -> memref<1x1024xf32, #tpu.memory_space<hbm>>
        %dma_wait3A_278 = tpu.memref_squeeze %dma_wait3A_277 : memref<1x1024xf32, #tpu.memory_space<hbm>> -> memref<1024xf32, #tpu.memory_space<hbm>>
        %dma_wait3A_279 = arith.constant 0 : i32
        %dma_wait3A_280 = tpu.memref_slice %arg8[%dma_wait3A_279] : memref<1040xf32, #tpu.memory_space<vmem>> -> memref<1024xf32, #tpu.memory_space<vmem>>
        tpu.wait_dma2 semaphore(%run_scoped3A : memref<!tpu.dma_semaphore, #tpu.memory_space<semaphore_mem>>) src(%dma_wait3A_280 : memref<1024xf32, #tpu.memory_space<vmem>>) dst(%dma_wait3A_278 : memref<1024xf32, #tpu.memory_space<hbm>>)
        tpu.yield
      }) : () -> ()
      %scan3A_260 = arith.constant 0 : i32
      scf.yield %scan3A_260 : i32
    }
    %scan3A_25 = arith.constant 32 : i32
    return
  }
}

module attributes {stable_mosaic.version = 14 : i64} {
  func.func @_sims_body(%arg0: i32, %arg1: memref<1024x32xf32, #tpu.memory_space<vmem>>, %arg2: memref<32x2048xf32, #tpu.memory_space<vmem>>, %arg3: memref<1024x2048xf32, #tpu.memory_space<vmem>>) attributes {dimension_semantics = [#tpu.dimension_semantics<arbitrary>], iteration_bounds = array<i64: 49>, scalar_prefetch = 0 : i64, scratch_operands = 0 : i64, tpu.core_type = #tpu.core_type<tc>, window_params = [{pipeline_mode = #tpu.pipeline_mode<synchronous>, transform_indices = @transform_0, window_bounds = array<i64: 1024, 32>}, {transform_indices = @transform_1, window_bounds = array<i64: 32, 2048>}, {transform_indices = @transform_2, window_bounds = array<i64: 1024, 2048>}]} {
    %get3A = arith.constant 0 : index
    %get3A_0 = arith.constant 0 : index
    %get3A_1 = vector.load %arg1[%get3A, %get3A_0] : memref<1024x32xf32, #tpu.memory_space<vmem>>, vector<1024x32xf32>
    %get3A_2 = arith.constant 0 : index
    %get3A_3 = arith.constant 0 : index
    %get3A_4 = vector.load %arg2[%get3A_2, %get3A_3] : memref<32x2048xf32, #tpu.memory_space<vmem>>, vector<32x2048xf32>
    %dot_general3A = arith.constant dense<0.000000e+00> : vector<1024x2048xf32>
    %dot_general3A_5 = tpu.matmul %get3A_1, %get3A_4, %dot_general3A {dimension_numbers = #tpu.dot_dimension_numbers<[1], [0], [0], [1], [0, 0, 1, 1], [], []>, transpose_lhs_hint = false} : vector<1024x32xf32>, vector<32x2048xf32>, vector<1024x2048xf32> -> vector<1024x2048xf32>
    %mul3A = arith.constant 2048 : i32
    %mul3A_6 = arith.muli %arg0, %mul3A : i32
    %iota3A = tpu.iota {dimensions = array<i32: 1>} : vector<1024x2048xi32>
    %add3A = vector.broadcast %mul3A_6 : i32 to vector<1024x2048xi32>
    %add3A_7 = arith.addi %add3A, %iota3A : vector<1024x2048xi32>
    %lt3A = arith.constant 100000 : i32
    %lt3A_8 = vector.broadcast %lt3A : i32 to vector<1024x2048xi32>
    %lt3A_9 = arith.cmpi slt, %add3A_7, %lt3A_8 : vector<1024x2048xi32>
    %jit3A = arith.constant -3.000000e+00 : f32
    %broadcast_in_dim3A = vector.broadcast %jit3A : f32 to vector<1024x2048xf32>
    %select_n3A = arith.select %lt3A_9, %dot_general3A_5, %broadcast_in_dim3A : vector<1024x2048xi1>, vector<1024x2048xf32>
    %swap3A = arith.constant 0 : index
    %swap3A_10 = arith.constant 0 : index
    %swap3A_11 = vector.load %arg3[%swap3A, %swap3A_10] : memref<1024x2048xf32, #tpu.memory_space<vmem>>, vector<1024x2048xf32>
    tpu.vector_store %arg3[%swap3A, %swap3A_10], %select_n3A {strides = array<i32>} : memref<1024x2048xf32, #tpu.memory_space<vmem>>, vector<1024x2048xf32>,
    return
  }
  func.func @transform_0(%arg0: i32) -> (i32, i32) {
    %c0_i32 = arith.constant 0 : i32
    %c0_i32_0 = arith.constant 0 : i32
    %c0_i32_1 = arith.constant 0 : i32
    return %c0_i32, %c0_i32_0 : i32, i32
  }
  func.func @transform_1(%arg0: i32) -> (i32, i32) {
    %c0_i32 = arith.constant 0 : i32
    %c0_i32_0 = arith.constant 0 : i32
    return %c0_i32, %arg0 : i32, i32
  }
  func.func @transform_2(%arg0: i32) -> (i32, i32) {
    %c0_i32 = arith.constant 0 : i32
    %c0_i32_0 = arith.constant 0 : i32
    return %c0_i32, %arg0 : i32, i32
  }
}

</mosaic_0001>

<sc_bundles>
// kernel: kernel.4.cloned.1.call-start
scs
__scs_entry_jumppad:
0x0: {  	(pc) =	sbr.rel $0x88, $3  }
0x1: {  	(tag) =	ssettag $0x0;
	lr =	simm.s32 $0x1  }
0x2: {  	[smem:$0x3F9E] =	sst lr;
	_ =	strace $0xD0000000  }
0x3: {  	_ = 	snop  }
0x4: {  	_ = 	snop  }
0x5: {  	_ = 	snop  }
0x6: {  	_ = 	snop  }
0x7: {  	_ = 	snop  }
__scs_overlays_trampoline_lowered:
0x8: {  	[smem:$0x3FAD] =	sst s0  }
0x9: {  	[smem:$0x3FAE] =	sst s1  }
0xa: {  	[smem:$0x3FAF] =	sst s2  }
0xb: {  	[smem:$0x3FB0] =	sst s3  }
0xc: {  	[smem:$0x3FB1] =	sst s4  }
0xd: {  	[smem:$0x3FB2] =	sst s5  }
0xe: {  	[smem:$0x3FB3] =	sst s6  }
0xf: {  	[smem:$0x3FB4] =	sst s7  }
0x10: {  	[smem:$0x3FB5] =	sst s8  }
0x11: {  	[smem:$0x3FB6] =	sst s9;
	s0 =	simm.s32 @!p0 $0x0  }
0x12: {  	s1 =	sld [smem:$0x3F9C];
	s0 =	simm.s32 @p0 $0x1  }
0x13: {  	[smem:$0x3FB7] =	sst s0;
	s0 =	simm.s32 @!p1 $0x0  }
0x14: {  	s2 =	sld [smem:$0x3F9B];
	s0 =	simm.s32 @p1 $0x1  }
0x15: {  	[smem:$0x3FB8] =	sst s0;
	s0 =	simm.s32 @!p2 $0x0  }
0x16: {  	s3 =	sld [smem:$0x3FDB];
	s0 =	simm.s32 @p2 $0x1  }
0x17: {  	s4 =	simm.s32 $0x1BF5;
	[smem:$0x3FBA] =	sst s0  }
0x18: {  	s0 =	sld [smem:$0x3F9D];
	_ =	swait.ge [sflag:s4], $0x0  }
0x19: {  	s7 =	sld [smem:$0x3F9E]  }
0x1a: {  	s8 =	sadd.s32 $0xFFFFE003, lr  }
0x1b: {  	s9 =	sadd.s32 $0xFFFFFEF7, lr;
	s5 =	simm.s32 $0xFFFFFFFF;
	p2 =	slt.u32 s8, $0xFFFFF086  }
0x1c: {  	p1 =	slt.u32 s9, $0xF7A;
	s5 =	simm.s32 @!p2 $0x0  }
0x1d: {  	s5 =	simm.s32 @p1 $0x1;
	p0 =	seq.s32 s7, s2  }
0x1e: {  	s7 =	smul.u32 @!p0 $0xF7A, s2;
	p2 =	seq.s32 @!p0 s5, $0x0  }
0x1f: {  	s9 =	smul.u32 $0xF7A, s1;
	s8 =	simm.s32 @!p0 $0x1BF5;
	p2 =	por !p2, p0  }
0x20: {  	[sflag:s8] =	ssyncset.s32 @!p0 $0xFFFFF086;
	s6 =	sadd.s32 @!p0 s3, s7;
	s7 =	simm.s32 @!p0 $0x108  }
0x21: {  	s3 =	sadd.s32 s3, s9;
	s6 =	sadd.s32 @!p0 $0x88, s6;
	s7 =	simm.s32 @p2 $0x1082  }
0x22: {  	[simem:s7], [sflag:s8] =	dma.local @!p0 [hbm:s6], $0xF7A  }
0x23: {  	s9 =	sor.u32 $0xD0000000, s2;
	s6 =	simm.s32 $0x108;
	_ =	swait.ge @!p0 [sflag:s8], $0x0  }
0x24: {  	s3 =	sadd.s32 $0x88, s3;
	s6 =	simm.s32 @!p1 $0x1082;
	[sflag:s4] =	ssyncset.s32 $0xFFFFF086  }
0x25: {  	[simem:s6], [sflag:s4] =	dma.local [hbm:s3], $0xF7A  }
0x26: {  	[smem:$0x3F9E] =	sst s1;
	(tag) =	ssettag s2;
	_ =	strace s9  }
0x27: {  	s1 =	sld [smem:$0x3FAE]  }
0x28: {  	s2 =	sld [smem:$0x3FAF]  }
0x29: {  	s4 =	sld [smem:$0x3FB1]  }
0x2a: {  	p0 =	seq.s32 s5, $0x0;
	s5 =	sld [smem:$0x3FB2]  }
0x2b: {  	s6 =	sld [smem:$0x3FB3]  }
0x2c: {  	s7 =	sld [smem:$0x3FB4]  }
0x2d: {  	s3 =	simm.s32 $0x108;
	s8 =	sld [smem:$0x3FB5]  }
0x2e: {  	s3 =	simm.s32 @!p0 $0x1082;
	s9 =	sld [smem:$0x3FB6]  }
0x2f: {  	lr =	sadd.s32 s0, s3;
	s0 =	sld [smem:$0x3FAD]  }
0x30: {  	s3 =	sld [smem:$0x3FB0]  }
0x31: {  	[smem:$0x3FB9] =	sst s10  }
0x32: {  	s10 =	sld [smem:$0x3FB7];
	_ =	sdelay $0x3  }
0x33: {  	p0 =	seq.s32 s10, $0x1;
	s10 =	sld [smem:$0x3FB9];
	_ =	sdelay $0x3  }
0x34: {  	[smem:$0x3FB9] =	sst s10  }
0x35: {  	s10 =	sld [smem:$0x3FB8];
	_ =	sdelay $0x3  }
0x36: {  	p1 =	seq.s32 s10, $0x1;
	s10 =	sld [smem:$0x3FB9];
	_ =	sdelay $0x3  }
0x37: {  	[smem:$0x3FB9] =	sst s10  }
0x38: {  	s10 =	sld [smem:$0x3FBA]  }
0x39: {  	_ = 	snop;
	(pc) =	sbr.ind lr, $3  }
0x3a: {  	_ = 	snop  }
0x3b: {  	_ = 	snop  }
0x3c: {  	p2 =	seq.s32 s10, $0x1;
	s10 =	sld [smem:$0x3FB9]  }
0x3d: {  	_ =	shalt  }
0x3e: {  	_ =	shalt  }
0x3f: {  	_ =	shalt  }
0x40: {  	_ =	shalt  }
0x41: {  	_ =	shalt  }
0x42: {  	_ =	shalt  }
0x43: {  	_ =	shalt  }
0x44: {  	_ =	shalt  }
0x45: {  	_ =	shalt  }
0x46: {  	_ =	shalt  }
0x47: {  	_ =	shalt  }
0x48: {  	_ =	shalt  }
0x49: {  	_ =	shalt  }
0x4a: {  	_ =	shalt  }
0x4b: {  	_ =	shalt  }
0x4c: {  	_ =	shalt  }
0x4d: {  	_ =	shalt  }
0x4e: {  	_ =	shalt  }
0x4f: {  	_ =	shalt  }
0x50: {  	_ =	shalt  }
0x51: {  	_ =	shalt  }
0x52: {  	_ =	shalt  }
0x53: {  	_ =	shalt  }
0x54: {  	_ =	shalt  }
0x55: {  	_ =	shalt  }
0x56: {  	_ =	shalt  }
0x57: {  	_ =	shalt  }
0x58: {  	_ =	shalt  }
0x59: {  	_ =	shalt  }
0x5a: {  	_ =	shalt  }
0x5b: {  	_ =	shalt  }
0x5c: {  	_ =	shalt  }
0x5d: {  	_ =	shalt  }
0x5e: {  	_ =	shalt  }
0x5f: {  	_ =	shalt  }
0x60: {  	_ =	shalt  }
0x61: {  	_ =	shalt  }
0x62: {  	_ =	shalt  }
0x63: {  	_ =	shalt  }
0x64: {  	_ =	shalt  }
0x65: {  	_ =	shalt  }
0x66: {  	_ =	shalt  }
0x67: {  	_ =	shalt  }
0x68: {  	_ =	shalt  }
0x69: {  	_ =	shalt  }
0x6a: {  	_ =	shalt  }
0x6b: {  	_ =	shalt  }
0x6c: {  	_ =	shalt  }
0x6d: {  	_ =	shalt  }
0x6e: {  	_ =	shalt  }
0x6f: {  	_ =	shalt  }
0x70: {  	_ =	shalt  }
0x71: {  	_ =	shalt  }
0x72: {  	_ =	shalt  }
0x73: {  	_ =	shalt  }
0x74: {  	_ =	shalt  }
0x75: {  	_ =	shalt  }
0x76: {  	_ =	shalt  }
0x77: {  	_ =	shalt  }
0x78: {  	_ =	shalt  }
0x79: {  	_ =	shalt  }
0x7a: {  	_ =	shalt  }
0x7b: {  	_ =	shalt  }
0x7c: {  	_ =	shalt  }
0x7d: {  	_ =	shalt  }
0x7e: {  	_ =	shalt  }
0x7f: {  	_ =	shalt  }
0x80: {  	_ =	shalt  }
0x81: {  	_ =	shalt  }
0x82: {  	_ =	shalt  }
0x83: {  	_ =	shalt  }
0x84: {  	_ =	shalt  }
0x85: {  	_ =	shalt  }
0x86: {  	_ =	shalt  }
0x87: {  	_ =	shalt  }
.Lfunc_end0:
.L_simem_size_0:
called_computation_lowered:
.L_overlay_start_0:
0x88: {  	s2 =	sld [smem:$0x3FD9]  }
0x89: {  	s3 =	sld [smem:$0x3FFE];
	_ =	sdelay $0x1  }
0x8a: {  	s1 =	srdreg.scid  }
0x8b: {  	s0 =	sand.u32 $0x1, s1  }
0x8c: {  	s16 =	sshll.u32 s0, $0xA;
	s2 =	sadd.s32 s3, s2  }
0x8d: {  	s2 =	sadd.s32 s2, s16  }
0x8e: {  	[smem:$0x3FC5] =	sst s2  }
0x8f: {  	_ = 	snop  }
0x90: {  	(tm) =	ssettm $0x1  }
0x91: {  	s17 =	sld [smem:$0x3FFB];
	_ =	sdelay $0x3  }
0x92: {  	_ =	strace s17  }
0x93: {  	s2 =	sld [smem:$0x3FFC];
	_ =	sdelay $0x3  }
0x94: {  	_ =	strace s2  }
0x95: {  	s2 =	sld [smem:$0x3FFD];
	_ =	sdelay $0x3  }
0x96: {  	_ =	strace s2  }
0x97: {  	_ =	strace $0x8FFFFFFF  }
0x98: {  	s18 =	sld [smem:$0x3FDB];
	_ =	sdelay $0x1  }
0x99: {  	s19 =	simm.s32 $_scs_section_size  }
0x9a: {  	s4 =	simm.s32 $_size__tile_overlayer_lowered;
	s5 =	simm.s32 $_tile_overlayer_lowered  }
0x9b: {  	s22 =	simm.s32 $0x1BFF;
	s21 =	sshll.u32 s5, $0x1;
	s2 =	sadd.s32 s19, s18  }
0x9c: {  	s6 =	simm.s32 $0x0;
	s20 =	sshll.u32 s4, $0x1;
	s4 =	sadd.s32 s21, s2  }
0x9d: {  	[timem:s6], [sflag:s22] =	dma.local [hbm:s4], s20  }
0x9e: {  	_ =	swait.ge [sflag:s22], s20  }
0x9f: {  	s3 =	ssub.s32 $0x0, s20;
	[sflag:s22] =	ssyncset.done $0x0  }
0xa0: {  	[sflag:s22] =	ssyncadd.s32 s3;
	_ =	sdelay $0x1  }
0xa1: {  	s23 =	simm.s32 $0x1B8B  }
0xa2: {  	_ =	swait.ge [sflag:s23], $0x1  }
0xa3: {  	[sflag:s23] =	ssyncset.done $0x0  }
0xa4: {  	s25 =	simm.s32 $0x1B8E;
	s24 =	sld [smem:$0x3FFE];
	[sflag:s23] =	ssyncadd.s32 $0xFFFFFFFF  }
0xa5: {  	s26 =	simm.s32 $execute0_lowered;
	[smem:$0x3FD2] =	sst s25  }
0xa6: {  	s4 =	sshll.u32 s26, $0x1;
	_ =	strace $0x80000046;
	[dreg:$0x1] =	wrdreg $0xFFFFFFFF  }
0xa7: {  	s28 =	simm.s32 $_size_execute0_lowered;
	s2 =	sadd.s32 s2, s4;
	[dreg:$0x0] =	wrdreg $0x0  }
0xa8: {  	s4 =	sshll.u32 s28, $0x1;
	[dreg:$0x2] =	wrdreg s2  }
0xa9: {  	[dreg:$0x3] =	wrdreg s4  }
0xaa: {  	[dreg:$0x4] =	wrdreg $0xC0  }
0xab: {  	_ =	task [dreg:s6], $0x5FFFF  }
0xac: {  	[dreg:$0x1] =	wrdreg $0xFFFFFFFF  }
0xad: {  	[dreg:$0x0] =	wrdreg $0x60  }
0xae: {  	[dreg:$0x2] =	wrdreg s24  }
0xaf: {  	[dreg:$0x3] =	wrdreg $0x9  }
0xb0: {  	_ =	task.clear_ibuf [dreg:s6], $0x4FFFF;
	_ =	strace $0x90000046  }
0xb1: {  	s29 =	simm.s32 $0x9;
	_ =	strace $0x80000048  }
0xb2: {  	_ =	swait.ge [sflag:s29], $0x1  }
0xb3: {  	[sflag:s29] =	ssyncadd.s32 $0xFFFFFFFF  }
0xb4: {  	_ =	strace $0x90000048  }
0xb5: {  	_ =	sfence  }
0xb6: {  	s30 =	sld [smem:$0x0];
	_ =	sdelay $0x2  }
0xb7: {  	s31 =	sshll.u32 s1, $0xD;
	s1 =	sshrl.u32 s1, $0x2  }
0xb8: {  	s3 =	sand.u32 $0x4000, s31;
	s1 =	sadd.s32 s1, s30  }
0xb9: {  	s0 =	sor.u32 s3, s0;
	s1 =	sshll.u32 s1, $0x11  }
0xba: {  	s0 =	sor.u32 s1, s0  }
0xbb: {  	s0 =	sadd.s32 $0x8F2B, s0  }
0xbc: {  	[sflag:s0] =	ssyncadd.remote.s32 $0x1  }
0xbd: {  	_ =	sfence.sel $0xFFFF  }
0xbe: {  	[dreg:$0x0] =	wrdreg $0xFFFFFFFF;
	(pc) =	sbr.abs _section_cstart, $3  }
0xbf: {  	[dreg:$0x1] =	wrdreg $0xFFFFFFFF  }
0xc0: {  	_ =	task.clear_ibuf [dreg:s6], $0x2FFFF;
	_ =	strace $0x9FFFFFFF  }
0xc1: {  	(tm) =	ssettm $0x7FFFFFFF  }
tec
execute0_lowered:
.L_overlay_start_1:
0x0: {  	(tag) =	ssettag $0x1  }
0x1: {  	v0 =	vimm.f32 $1.612700000e+04;
	vm0 =	vcmask $0x300  }
0x2: {  	vm14 =	vcmask $0x704;
	v0 =	vsel vm0, $0x44000000, v0  }
0x3: {  	vm15 =	vcmask $0xB08;
	v0 =	vsel vm14, $0x44C22000, v0  }
0x4: {  	vm4 =	vcmask $0xF0C;
	v0 =	vsel vm15, $0x45222000, v0  }
0x5: {  	vm5 =	vcmask $0x1310;
	v0 =	vsel vm4, $0x45633000, v0  }
0x6: {  	s1 =	rddreg [dreg:$0x0];
	s2 =	simm.s32 $0x0;
	vm6 =	vcmask $0x1714;
	v0 =	vsel vm5, $0x45922000, v0  }
0x7: {  	vm7 =	vcmask $0x1B18;
	s4 =	srdreg.scid;
	s10 =	simm.s32 $0x6200;
	s11 =	simm.s32 $0x9300;
	v0 =	vsel vm6, $0x45B2A800, v0  }
0x8: {  	vm8 =	vcmask $0x1F1C;
	s12 =	simm.s32 $0xC400;
	s13 =	simm.s32 $0xF500;
	s14 =	simm.s32 $0x80;
	v0 =	vsel vm7, $0x45D33000, v0  }
0x9: {  	vm9 =	vcmask $0x2320;
	s15 =	simm.s32 $0x12600;
	s16 =	simm.s32 $0x15700;
	s17 =	simm.s32 $0x1;
	v0 =	vsel vm8, $0x45F3B800, v0  }
0xa: {  	vm10 =	vcmask $0x2724;
	s18 =	simm.s32 $0x18800;
	s19 =	simm.s32 $0x1C980;
	s20 =	simm.s32 $0x1CE00;
	v0 =	vsel vm9, $0x460A2000, v0  }
0xb: {  	vm11 =	vcmask $0x2B28;
	vm12 =	vcmask $0x2F2C;
	s21 =	simm.s32 $0x2;
	s22 =	simm.s32 $0x0;
	[smem:$0x7FF] =	sst s2;
	v0 =	vsel vm10, $0x461A6400, v0  }
.Ltmp0:
0xc: {  	vm13 =	vcmask $0x3330;
	v5 =	vimm.s32 $0x1;
	s3 =	sadd.s32 $0xC60000, s1;
	s6 =	sand.u32 $0x1, s4;
	v0 =	vsel vm11, $0x462AA800, v0;
	(pc) =	sbr.rel .LBB2_1-.Ltmp0, $4  }
0xd: {  	v6 =	vimm.s32 $0x186A0;
	s5 =	sadd.s32 $0xC40000, s1;
	s4 =	stileid.u32;
	s7 =	ssub.s32 $0x2, s6;
	v1 =	vsel vm12, $0x463AEC00, v0;
	v0 =	vlaneseq.u32  }
0xe: {  	s9 =	sshll.u32 s4, $0x6;
	s6 =	sshll.u32 s6, $0x5;
	vm14 =	vcmask $0x3734;
	s8 =	sshrl.u32 s7, $0x1;
	v2 =	vsel vm13, $0x464B3000, v1;
	v1 =	vmul.u32 $0x411, v0  }
0xf: {  	v7 =	vimm.f32 $-3.000000000e+00;
	_ =	strace $0x80000047;
	s6 =	sor.u32 s6, s9;
	vm15 =	vcmask $0x3B38;
	s8 =	ssub.s32 s7, s8;
	v3 =	vsel vm14, $0x465B7400, v2  }
0x10: {  	s9 =	simm.s32 $0x3100;
	s7 =	simm.s32 $0x400;
	s8 =	smax.u32 s8, $0x1;
	v2 =	vimm.s32 $0x0;
	v3 =	vsel vm15, $0x466BB800, v3;
	v4 =	vadd.s32 $0x3FF, v1  }
.LBB2_35:
0x11: {  	s22 =	sadd.s32 $0x1, s22  }
0x12: {  	p0 =	sne.s32 s22, s8  }
.Ltmp1:
0x13: {  	_ = 	snop;
	(pc) =	sbr.rel @!p0 .LBB2_36-.Ltmp1, $1  }
0x14: {  	_ =	sdelay $0x3  }
.LBB2_1:
0x15: {  	s23 =	simm.s32 $0x0  }
.LBB2_2:
0x16: {  	s24 =	sadd.s32 s6, s23  }
0x17: {  	s24 =	sshrl.u32 s24, $0x3  }
0x18: {  	s25 =	sshll.u32 s23, $0x7;
	s26 =	smul.u32 $0xC4000, s24  }
0x19: {  	s25 =	sand.u32 $0x380, s25  }
0x1a: {  	s26 =	sor.u32 s25, s26  }
0x1b: {  	s28 =	sshrl.u32 s26, $0x3  }
0x1c: {  	s28 =	sadd.s32 s1, s28  }
0x1d: {  	[tilespmem:s2], [sflag:$0x1] =	stream.strided.gather [hbm4b:s28+s14], $0x3100, s7, s14, $0x38;
	[tilespmem:$0x1D280] =	vst v63  }
0x1e: {  	s28 =	sadd.s32 $0x18800, s26  }
0x1f: {  	s28 =	sshrl.u32 s28, $0x3  }
0x20: {  	s28 =	sadd.s32 s1, s28  }
0x21: {  	[tilespmem:s9], [sflag:$0x1] =	stream.strided.gather [hbm4b:s28+s14], $0x3100, s7, s14, $0x38;
	[tilespmem:$0x1D280] =	vst v63  }
0x22: {  	s28 =	sadd.s32 $0x31000, s26  }
0x23: {  	s28 =	sshrl.u32 s28, $0x3  }
0x24: {  	s28 =	sadd.s32 s1, s28  }
0x25: {  	[tilespmem:s10], [sflag:$0x1] =	stream.strided.gather [hbm4b:s28+s14], $0x3100, s7, s14, $0x38;
	[tilespmem:$0x1D280] =	vst v63  }
0x26: {  	s28 =	sadd.s32 $0x49800, s26  }
0x27: {  	s28 =	sshrl.u32 s28, $0x3  }
0x28: {  	s28 =	sadd.s32 s1, s28  }
0x29: {  	[tilespmem:s11], [sflag:$0x1] =	stream.strided.gather [hbm4b:s28+s14], $0x3100, s7, s14, $0x38;
	[tilespmem:$0x1D280] =	vst v63  }
0x2a: {  	s28 =	sadd.s32 $0x62000, s26  }
0x2b: {  	s28 =	sshrl.u32 s28, $0x3  }
0x2c: {  	s28 =	sadd.s32 s1, s28  }
0x2d: {  	[tilespmem:s12], [sflag:$0x1] =	stream.strided.gather [hbm4b:s28+s14], $0x3100, s7, s14, $0x38;
	[tilespmem:$0x1D280] =	vst v63  }
0x2e: {  	s28 =	sadd.s32 $0x7A800, s26  }
0x2f: {  	s28 =	sshrl.u32 s28, $0x3  }
0x30: {  	s28 =	sadd.s32 s1, s28  }
0x31: {  	[tilespmem:s13], [sflag:$0x1] =	stream.strided.gather [hbm4b:s28+s14], $0x3100, s7, s14, $0x38;
	[tilespmem:$0x1D280] =	vst v63  }
0x32: {  	s28 =	sadd.s32 $0x93000, s26  }
0x33: {  	s26 =	sadd.s32 $0xAB800, s26;
	s28 =	sshrl.u32 s28, $0x3  }
0x34: {  	s26 =	sshrl.u32 s26, $0x3;
	s28 =	sadd.s32 s1, s28  }
0x35: {  	[tilespmem:s15], [sflag:$0x1] =	stream.strided.gather [hbm4b:s28+s14], $0x3100, s7, s14, $0x38;
	[tilespmem:$0x1D280] =	vst v63  }
0x36: {  	s26 =	sadd.s32 s1, s26  }
0x37: {  	[tilespmem:s16], [sflag:$0x1] =	stream.strided.gather [hbm4b:s26+s14], $0x3100, s7, s14, $0x38;
	[tilespmem:$0x1D280] =	vst v63  }
0x38: {  	s26 =	simm.s32 $0x18820  }
0x39: {  	[tilespmem:s26+$0xFFFFFFE0] =	vst v2  }
0x3a: {  	[tilespmem:s26+$0x10] =	vst v2  }
0x3b: {  	s28 =	simm.s32 $0x0;
	[tilespmem:s26+$0x0] =	vst v2  }
.LBB2_3:
0x3c: {  	s28 =	sadd.s32 $0x4, s28  }
0x3d: {  	[tilespmem:s26+$0xFFFFFFF0] =	vst v2;
	s26 =	sadd.s32 $0x40, s26;
	p0 =	slt.u32 s28, $0x40C  }
.Ltmp2:
0x3e: {  	[tilespmem:s26+$0xFFFFFFE0] =	vst v2;
	(pc) =	sbr.rel @p0 .LBB2_3-.Ltmp2, $3  }
0x3f: {  	_ =	sdelay $0x1  }
0x40: {  	[tilespmem:s26+$0x10] =	vst v2  }
0x41: {  	[tilespmem:s26+$0x0] =	vst v2  }
0x42: {  	[tilespmem:s26+$0xFFFFFFF0] =	vst v2  }
0x43: {  	[tilespmem:$0x1C900] =	vst v2  }
0x44: {  	_ =	swait.ge [sflag:s17], $0x3100  }
0x45: {  	[sflag:s17] =	ssyncset.done $0x0  }
0x46: {  	s30 =	simm.s32 $0x40;
	[sflag:s17] =	ssyncadd.s32 $0xFFFFCF00  }
0x47: {  	v8 =	vld [tilespmem:s30+$0x30]  }
0x48: {  	v9 =	vld [tilespmem:s30+$0xFFFFFFD0]  }
0x49: {  	v10 =	vld [tilespmem:s30+$0xFFFFFFE0]  }
0x4a: {  	v11 =	vld [tilespmem:s30+$0xFFFFFFF0]  }
0x4b: {  	v12 =	vld [tilespmem:s30+$0x0]  }
0x4c: {  	v13 =	vld [tilespmem:s30+$0x10]  }
0x4d: {  	v14 =	vld [tilespmem:s30+$0x20]  }
0x4e: {  	s31 =	simm.s32 $0xC0;
	v15 =	vld [tilespmem:s30+$0xFFFFFFC0]  }
0x4f: {  	v16 =	vld [tilespmem:s31+$0x30]  }
0x50: {  	v18 =	vld [tilespmem:s31+$0xFFFFFFE0];
	v8 =	vmul.f32 $5.120000000e+02, v8  }
0x51: {  	v19 =	vld [tilespmem:s31+$0xFFFFFFF0];
	v9 =	vmul.f32 $5.120000000e+02, v9;
	v10 =	vmul.f32 $5.120000000e+02, v10  }
0x52: {  	v11 =	vmul.f32 $5.120000000e+02, v11;
	v12 =	vmul.f32 $5.120000000e+02, v12  }
0x53: {  	v13 =	vmul.f32 $5.120000000e+02, v13;
	v14 =	vmul.f32 $5.120000000e+02, v14  }
0x54: {  	v15 =	vmul.f32 $5.120000000e+02, v15;
	v16 =	vmul.f32 $5.120000000e+02, v16;
	v8 =	vadd.f32 v3, v8  }
0x55: {  	v18 =	vmul.f32 $5.120000000e+02, v18;
	v9 =	vadd.f32 v3, v9;
	v10 =	vadd.f32 v3, v10  }
0x56: {  	v19 =	vmul.f32 $5.120000000e+02, v19;
	v11 =	vadd.f32 v3, v11;
	v12 =	vadd.f32 v3, v12  }
0x57: {  	v13 =	vadd.f32 v3, v13;
	v14 =	vadd.f32 v3, v14;
	v8 =	vtrunc.f32 v8  }
0x58: {  	v15 =	vadd.f32 v3, v15;
	v9 =	vtrunc.f32 v9;
	v10 =	vtrunc.f32 v10  }
0x59: {  	v16 =	vadd.f32 v3, v16;
	v11 =	vtrunc.f32 v11;
	v12 =	vtrunc.f32 v12  }
0x5a: {  	v13 =	vtrunc.f32 v13;
	v15 =	vtrunc.f32 v15  }
0x5b: {  	v14 =	vtrunc.f32 v14;
	v16 =	vtrunc.f32 v16  }
0x5c: {  	v8 =	vcvt.f32.s32 v8;
	v15 =	vcvt.f32.s32 v15  }
0x5d: {  	v9 =	vcvt.f32.s32 v9;
	v10 =	vcvt.f32.s32 v10  }
0x5e: {  	v11 =	vcvt.f32.s32 v11;
	v12 =	vcvt.f32.s32 v12  }
0x5f: {  	v19 =	vadd.f32 v3, v19;
	v13 =	vcvt.f32.s32 v13;
	v14 =	vcvt.f32.s32 v14  }
0x60: {  	v17 =	vld [tilespmem:s31+$0xFFFFFFD0];
	v16 =	vcvt.f32.s32 v16;
	vm0 =	vgt.s32 v8, v1;
	vm13 =	vgt.s32 v15, v1  }
0x61: {  	vm1 =	vgt.s32 v9, v1;
	vm2 =	vgt.s32 v10, v1;
	vm3 =	vgt.s32 v11, v1  }
0x62: {  	v20 =	vld [tilespmem:s31+$0x0];
	vm4 =	vgt.s32 v12, v1;
	vm5 =	vgt.s32 v13, v1;
	vm14 =	vgt.s32 v14, v1  }
0x63: {  	v23 =	vld [tilespmem:s31+$0xFFFFFFC0];
	v8 =	vsel vm0, v8, v1;
	v15 =	vsel vm13, v15, v1;
	v9 =	vsel vm1, v9, v1  }
0x64: {  	v11 =	vsel vm3, v11, v1;
	v21 =	vsel vm4, v12, v1;
	v12 =	vld [tilespmem:s31+$0x10];
	v8 =	vmin.u32 v8, v4  }
0x65: {  	v22 =	vsel vm14, v14, v1;
	v14 =	vmul.f32 $5.120000000e+02, v17;
	v17 =	vld [tilespmem:s31+$0x20];
	v15 =	vmin.u32 v15, v4  }
0x66: {  	v9 =	vmin.u32 v9, v4;
	v24 =	vmin.u32 v11, v4;
	v11 =	vadd.f32 v3, v18  }
0x67: {  	v10 =	vsel vm2, v10, v1;
	v18 =	vmul.f32 $5.120000000e+02, v20;
	v14 =	vadd.f32 v3, v14  }
0x68: {  	vm15 =	vgt.s32 v16, v1;
	v10 =	vmin.u32 v10, v4;
	v11 =	vtrunc.f32 v11  }
0x69: {  	v20 =	vtrunc.f32 v14;
	v14 =	vadd.f32 v3, v18;
	v18 =	vmul.f32 $5.120000000e+02, v23;
	[tilespmem:v8+s18+$0x0] =	vst.idx.add.s32.msk $0xffff, v5  }
0x6a: {  	v13 =	vsel vm5, v13, v1;
	v12 =	vmul.f32 $5.120000000e+02, v12;
	v17 =	vmul.f32 $5.120000000e+02, v17;
	[tilespmem:v15+s18+$0x0] =	vst.idx.add.s32.msk $0xffff, v5  }
0x6b: {  	v8 =	vsel vm15, v16, v1;
	v15 =	vadd.f32 v3, v18;
	v16 =	vtrunc.f32 v19;
	[tilespmem:v9+s18+$0x0] =	vst.idx.add.s32.msk $0xffff, v5  }
0x6c: {  	v9 =	vmin.u32 v13, v4;
	v63 =	vadd.f32 v3, v12;
	v12 =	vmin.u32 v8, v4  }
0x6d: {  	v13 =	vcvt.f32.s32 v20;
	v25 =	vadd.f32 v3, v17;
	v17 =	vtrunc.f32 v14  }
0x6e: {  	[tilespmem:v10+s18+$0x0] =	vst.idx.add.s32.msk $0xffff, v5;
	v8 =	vmin.u32 v21, v4;
	v10 =	vtrunc.f32 v15;
	v18 =	vtrunc.f32 v63  }
0x6f: {  	s26 =	simm.s32 $0x8;
	s28 =	simm.s32 $0x140;
	[tilespmem:v24+s18+$0x0] =	vst.idx.add.s32.msk $0xffff, v5;
	v15 =	vtrunc.f32 v25;
	v14 =	vcvt.f32.s32 v10;
	v10 =	vmin.u32 v22, v4  }
.LBB2_5:
0x70: {  	v19 =	vld [tilespmem:s28+$0x30];
	v11 =	vcvt.f32.s32 v11;
	v16 =	vcvt.f32.s32 v16  }
0x71: {  	s26 =	sadd.s32 $0x8, s26;
	v17 =	vcvt.f32.s32 v17;
	v18 =	vcvt.f32.s32 v18;
	vm0 =	vgt.s32 v14, v1;
	[tilespmem:v12+s18+$0x0] =	vst.idx.add.s32.msk $0xffff, v5  }
0x72: {  	v15 =	vcvt.f32.s32 v15;
	p0 =	slt.u32 s26, $0x308;
	vm1 =	vgt.s32 v13, v1;
	v12 =	vld [tilespmem:s28+$0xFFFFFFD0];
	vm2 =	vgt.s32 v11, v1  }
0x73: {  	vm3 =	vgt.s32 v16, v1;
	vm4 =	vgt.s32 v17, v1;
	vm5 =	vgt.s32 v18, v1;
	v20 =	vld [tilespmem:s28+$0xFFFFFFE0]  }
0x74: {  	v14 =	vsel vm0, v14, v1;
	v13 =	vsel vm1, v13, v1;
	vm0 =	vgt.s32 v15, v1;
	v21 =	vld [tilespmem:s28+$0xFFFFFFF0]  }
0x75: {  	v11 =	vsel vm2, v11, v1;
	v16 =	vsel vm3, v16, v1;
	v23 =	vsel vm4, v17, v1;
	v22 =	vld [tilespmem:s28+$0x0]  }
0x76: {  	v24 =	vsel vm5, v18, v1;
	v25 =	vsel vm0, v15, v1;
	v19 =	vmul.f32 $5.120000000e+02, v19;
	v17 =	vld [tilespmem:s28+$0x10]  }
0x77: {  	v14 =	vmin.u32 v14, v4;
	v13 =	vmin.u32 v13, v4;
	v12 =	vmul.f32 $5.120000000e+02, v12;
	v15 =	vld [tilespmem:s28+$0x20]  }
0x78: {  	v26 =	vmin.u32 v11, v4;
	v19 =	vadd.f32 v3, v19;
	v18 =	vld [tilespmem:s28+$0xFFFFFFC0];
	v20 =	vmul.f32 $5.120000000e+02, v20  }
0x79: {  	v11 =	vadd.f32 v3, v12;
	v12 =	vmul.f32 $5.120000000e+02, v21;
	v21 =	vmin.u32 v16, v4;
	[tilespmem:v8+s18+$0x0] =	vst.idx.add.s32.msk $0xffff, v5  }
0x7a: {  	v19 =	vtrunc.f32 v19;
	v8 =	vadd.f32 v3, v20;
	v16 =	vmul.f32 $5.120000000e+02, v22;
	[tilespmem:v9+s18+$0x0] =	vst.idx.add.s32.msk $0xffff, v5  }
0x7b: {  	v9 =	vadd.f32 v3, v12;
	v12 =	vmul.f32 $5.120000000e+02, v17;
	v17 =	vcvt.f32.s32 v19;
	[tilespmem:v10+s18+$0x0] =	vst.idx.add.s32.msk $0xffff, v5  }
0x7c: {  	v10 =	vtrunc.f32 v11;
	v19 =	vadd.f32 v3, v16;
	v15 =	vmul.f32 $5.120000000e+02, v15;
	[tilespmem:v14+s18+$0x0] =	vst.idx.add.s32.msk $0xffff, v5  }
0x7d: {  	v14 =	vmul.f32 $5.120000000e+02, v18;
	v18 =	vadd.f32 v3, v12;
	vm0 =	vgt.s32 v17, v1;
	[tilespmem:v13+s18+$0x0] =	vst.idx.add.s32.msk $0xffff, v5  }
.Ltmp3:
0x7e: {  	v11 =	vtrunc.f32 v8;
	v13 =	vadd.f32 v3, v15;
	v8 =	vsel vm0, v17, v1;
	[tilespmem:v26+s18+$0x0] =	vst.idx.add.s32.msk $0xffff, v5;
	(pc) =	sbr.rel @p0 .LBB2_5-.Ltmp3, $4  }
0x7f: {  	v16 =	vtrunc.f32 v9;
	v14 =	vadd.f32 v3, v14;
	v12 =	vmin.u32 v8, v4;
	[tilespmem:v21+s18+$0x0] =	vst.idx.add.s32.msk $0xffff, v5  }
0x80: {  	v17 =	vtrunc.f32 v19;
	v18 =	vtrunc.f32 v18;
	v8 =	vmin.u32 v23, v4  }
0x81: {  	v9 =	vmin.u32 v24, v4;
	v15 =	vtrunc.f32 v13;
	v14 =	vtrunc.f32 v14  }
0x82: {  	s28 =	sadd.s32 $0x80, s28;
	v13 =	vcvt.f32.s32 v10;
	v10 =	vmin.u32 v25, v4;
	v14 =	vcvt.f32.s32 v14  }
0x83: {  	_ =	sdelay $0x3  }
0x84: {  	[tilespmem:v12+s18+$0x0] =	vst.idx.add.s32.msk $0xffff, v5  }
0x85: {  	v11 =	vcvt.f32.s32 v11;
	v16 =	vcvt.f32.s32 v16;
	[tilespmem:v8+s18+$0x0] =	vst.idx.add.s32.msk $0xffff, v5  }
0x86: {  	v17 =	vcvt.f32.s32 v17;
	v18 =	vcvt.f32.s32 v18;
	[tilespmem:v9+s18+$0x0] =	vst.idx.add.s32.msk $0xffff, v5;
	vm0 =	vgt.s32 v14, v1  }
0x87: {  	v12 =	vcvt.f32.s32 v15;
	[tilespmem:v10+s18+$0x0] =	vst.idx.add.s32.msk $0xffff, v5;
	vm1 =	vgt.s32 v13, v1;
	v14 =	vsel vm0, v14, v1  }
0x88: {  	vm2 =	vgt.s32 v11, v1;
	v13 =	vsel vm1, v13, v1;
	v14 =	vmin.u32 v14, v4  }
0x89: {  	vm3 =	vgt.s32 v16, v1;
	v11 =	vsel vm2, v11, v1;
	v13 =	vmin.u32 v13, v4  }
0x8a: {  	vm4 =	vgt.s32 v17, v1;
	v15 =	vsel vm3, v16, v1;
	v11 =	vmin.u32 v11, v4  }
0x8b: {  	vm6 =	vgt.s32 v18, v1;
	v8 =	vsel vm4, v17, v1;
	v15 =	vmin.u32 v15, v4  }
0x8c: {  	vm7 =	vgt.s32 v12, v1;
	v9 =	vsel vm6, v18, v1;
	v8 =	vmin.u32 v8, v4  }
0x8d: {  	v10 =	vsel vm7, v12, v1;
	v9 =	vmin.u32 v9, v4;
	[tilespmem:v14+s18+$0x0] =	vst.idx.add.s32.msk $0xffff, v5  }
0x8e: {  	v10 =	vmin.u32 v10, v4;
	[tilespmem:v13+s18+$0x0] =	vst.idx.add.s32.msk $0xffff, v5  }
0x8f: {  	[tilespmem:v11+s18+$0x0] =	vst.idx.add.s32.msk $0xffff, v5  }
0x90: {  	[tilespmem:v15+s18+$0x0] =	vst.idx.add.s32.msk $0xffff, v5  }
0x91: {  	[tilespmem:v8+s18+$0x0] =	vst.idx.add.s32.msk $0xffff, v5  }
0x92: {  	[tilespmem:v9+s18+$0x0] =	vst.idx.add.s32.msk $0xffff, v5  }
0x93: {  	[tilespmem:v10+s18+$0x0] =	vst.idx.add.s32.msk $0xffff, v5  }
0x94: {  	_ =	swait.ge [sflag:s17], $0x3100  }
0x95: {  	[sflag:s17] =	ssyncset.done $0x0  }
0x96: {  	s26 =	simm.s32 $0x3170;
	[sflag:s17] =	ssyncadd.s32 $0xFFFFCF00  }
0x97: {  	v8 =	vld [tilespmem:s26+$0x0]  }
0x98: {  	v9 =	vld [tilespmem:s26+$0xFFFFFFA0]  }
0x99: {  	v10 =	vld [tilespmem:s26+$0xFFFFFFB0]  }
0x9a: {  	v11 =	vld [tilespmem:s26+$0xFFFFFFC0]  }
0x9b: {  	v12 =	vld [tilespmem:s26+$0xFFFFFFD0]  }
0x9c: {  	v13 =	vld [tilespmem:s26+$0xFFFFFFE0]  }
0x9d: {  	v14 =	vld [tilespmem:s26+$0xFFFFFFF0]  }
0x9e: {  	s31 =	simm.s32 $0x31F0;
	v15 =	vld [tilespmem:s26+$0xFFFFFF90]  }
0x9f: {  	v16 =	vld [tilespmem:s31+$0x0]  }
0xa0: {  	v18 =	vld [tilespmem:s31+$0xFFFFFFB0];
	v8 =	vmul.f32 $5.120000000e+02, v8  }
0xa1: {  	v19 =	vld [tilespmem:s31+$0xFFFFFFC0];
	v9 =	vmul.f32 $5.120000000e+02, v9;
	v10 =	vmul.f32 $5.120000000e+02, v10  }
0xa2: {  	v11 =	vmul.f32 $5.120000000e+02, v11;
	v12 =	vmul.f32 $5.120000000e+02, v12  }
0xa3: {  	v13 =	vmul.f32 $5.120000000e+02, v13;
	v14 =	vmul.f32 $5.120000000e+02, v14  }
0xa4: {  	v15 =	vmul.f32 $5.120000000e+02, v15;
	v16 =	vmul.f32 $5.120000000e+02, v16;
	v8 =	vadd.f32 v3, v8  }
0xa5: {  	v18 =	vmul.f32 $5.120000000e+02, v18;
	v9 =	vadd.f32 v3, v9;
	v10 =	vadd.f32 v3, v10  }
0xa6: {  	v19 =	vmul.f32 $5.120000000e+02, v19;
	v11 =	vadd.f32 v3, v11;
	v12 =	vadd.f32 v3, v12  }
0xa7: {  	v13 =	vadd.f32 v3, v13;
	v14 =	vadd.f32 v3, v14;
	v8 =	vtrunc.f32 v8  }
0xa8: {  	v15 =	vadd.f32 v3, v15;
	v9 =	vtrunc.f32 v9;
	v10 =	vtrunc.f32 v10  }
0xa9: {  	v16 =	vadd.f32 v3, v16;
	v11 =	vtrunc.f32 v11;
	v12 =	vtrunc.f32 v12  }
0xaa: {  	v13 =	vtrunc.f32 v13;
	v15 =	vtrunc.f32 v15  }
0xab: {  	v14 =	vtrunc.f32 v14;
	v16 =	vtrunc.f32 v16  }
0xac: {  	v8 =	vcvt.f32.s32 v8;
	v15 =	vcvt.f32.s32 v15  }
0xad: {  	v9 =	vcvt.f32.s32 v9;
	v10 =	vcvt.f32.s32 v10  }
0xae: {  	v11 =	vcvt.f32.s32 v11;
	v12 =	vcvt.f32.s32 v12  }
0xaf: {  	v19 =	vadd.f32 v3, v19;
	v13 =	vcvt.f32.s32 v13;
	v14 =	vcvt.f32.s32 v14  }
0xb0: {  	v17 =	vld [tilespmem:s31+$0xFFFFFFA0];
	v16 =	vcvt.f32.s32 v16;
	vm8 =	vgt.s32 v8, v1;
	vm9 =	vgt.s32 v15, v1  }
0xb1: {  	vm10 =	vgt.s32 v9, v1;
	vm11 =	vgt.s32 v10, v1;
	vm12 =	vgt.s32 v11, v1  }
0xb2: {  	v20 =	vld [tilespmem:s31+$0xFFFFFFD0];
	vm13 =	vgt.s32 v12, v1;
	vm5 =	vgt.s32 v13, v1;
	vm14 =	vgt.s32 v14, v1  }
0xb3: {  	v23 =	vld [tilespmem:s31+$0xFFFFFF90];
	v8 =	vsel vm8, v8, v1;
	v15 =	vsel vm9, v15, v1;
	v9 =	vsel vm10, v9, v1  }
0xb4: {  	v11 =	vsel vm12, v11, v1;
	v21 =	vsel vm13, v12, v1;
	v12 =	vld [tilespmem:s31+$0xFFFFFFE0];
	v8 =	vmin.u32 v8, v4  }
0xb5: {  	v22 =	vsel vm14, v14, v1;
	v14 =	vmul.f32 $5.120000000e+02, v17;
	v17 =	vld [tilespmem:s31+$0xFFFFFFF0];
	v15 =	vmin.u32 v15, v4  }
0xb6: {  	v9 =	vmin.u32 v9, v4;
	v24 =	vmin.u32 v11, v4;
	v11 =	vadd.f32 v3, v18  }
0xb7: {  	v10 =	vsel vm11, v10, v1;
	v18 =	vmul.f32 $5.120000000e+02, v20;
	v14 =	vadd.f32 v3, v14  }
0xb8: {  	vm15 =	vgt.s32 v16, v1;
	v10 =	vmin.u32 v10, v4;
	v11 =	vtrunc.f32 v11  }
0xb9: {  	v20 =	vtrunc.f32 v14;
	v14 =	vadd.f32 v3, v18;
	v18 =	vmul.f32 $5.120000000e+02, v23;
	[tilespmem:v8+s18+$0x0] =	vst.idx.add.s32.msk $0xffff, v5  }
0xba: {  	v13 =	vsel vm5, v13, v1;
	v12 =	vmul.f32 $5.120000000e+02, v12;
	v17 =	vmul.f32 $5.120000000e+02, v17;
	[tilespmem:v15+s18+$0x0] =	vst.idx.add.s32.msk $0xffff, v5  }
0xbb: {  	v8 =	vsel vm15, v16, v1;
	v15 =	vadd.f32 v3, v18;
	v16 =	vtrunc.f32 v19;
	[tilespmem:v9+s18+$0x0] =	vst.idx.add.s32.msk $0xffff, v5  }
0xbc: {  	v9 =	vmin.u32 v13, v4;
	v63 =	vadd.f32 v3, v12;
	v12 =	vmin.u32 v8, v4  }
0xbd: {  	v13 =	vcvt.f32.s32 v20;
	v25 =	vadd.f32 v3, v17;
	v17 =	vtrunc.f32 v14  }
0xbe: {  	[tilespmem:v10+s18+$0x0] =	vst.idx.add.s32.msk $0xffff, v5;
	v8 =	vmin.u32 v21, v4;
	v10 =	vtrunc.f32 v15;
	v18 =	vtrunc.f32 v63  }
0xbf: {  	s28 =	simm.s32 $0x3270;
	s26 =	simm.s32 $0x8;
	[tilespmem:v24+s18+$0x0] =	vst.idx.add.s32.msk $0xffff, v5;
	v15 =	vtrunc.f32 v25;
	v14 =	vcvt.f32.s32 v10;
	v10 =	vmin.u32 v22, v4  }
.LBB2_7:
0xc0: {  	v19 =	vld [tilespmem:s28+$0x0];
	v11 =	vcvt.f32.s32 v11;
	v16 =	vcvt.f32.s32 v16  }
0xc1: {  	s26 =	sadd.s32 $0x8, s26;
	v17 =	vcvt.f32.s32 v17;
	v18 =	vcvt.f32.s32 v18;
	vm0 =	vgt.s32 v14, v1;
	[tilespmem:v12+s18+$0x0] =	vst.idx.add.s32.msk $0xffff, v5  }
0xc2: {  	v15 =	vcvt.f32.s32 v15;
	p0 =	slt.u32 s26, $0x308;
	vm1 =	vgt.s32 v13, v1;
	v12 =	vld [tilespmem:s28+$0xFFFFFFA0];
	vm2 =	vgt.s32 v11, v1  }
0xc3: {  	vm3 =	vgt.s32 v16, v1;
	vm4 =	vgt.s32 v17, v1;
	vm5 =	vgt.s32 v18, v1;
	v20 =	vld [tilespmem:s28+$0xFFFFFFB0]  }
0xc4: {  	v14 =	vsel vm0, v14, v1;
	v13 =	vsel vm1, v13, v1;
	vm0 =	vgt.s32 v15, v1;
	v21 =	vld [tilespmem:s28+$0xFFFFFFC0]  }
0xc5: {  	v11 =	vsel vm2, v11, v1;
	v16 =	vsel vm3, v16, v1;
	v23 =	vsel vm4, v17, v1;
	v22 =	vld [tilespmem:s28+$0xFFFFFFD0]  }
0xc6: {  	v24 =	vsel vm5, v18, v1;
	v25 =	vsel vm0, v15, v1;
	v19 =	vmul.f32 $5.120000000e+02, v19;
	v17 =	vld [tilespmem:s28+$0xFFFFFFE0]  }
0xc7: {  	v14 =	vmin.u32 v14, v4;
	v13 =	vmin.u32 v13, v4;
	v12 =	vmul.f32 $5.120000000e+02, v12;
	v15 =	vld [tilespmem:s28+$0xFFFFFFF0]  }
0xc8: {  	v26 =	vmin.u32 v11, v4;
	v19 =	vadd.f32 v3, v19;
	v18 =	vld [tilespmem:s28+$0xFFFFFF90];
	v20 =	vmul.f32 $5.120000000e+02, v20  }
0xc9: {  	v11 =	vadd.f32 v3, v12;
	v12 =	vmul.f32 $5.120000000e+02, v21;
	v21 =	vmin.u32 v16, v4;
	[tilespmem:v8+s18+$0x0] =	vst.idx.add.s32.msk $0xffff, v5  }
0xca: {  	v19 =	vtrunc.f32 v19;
	v8 =	vadd.f32 v3, v20;
	v16 =	vmul.f32 $5.120000000e+02, v22;
	[tilespmem:v9+s18+$0x0] =	vst.idx.add.s32.msk $0xffff, v5  }
0xcb: {  	v9 =	vadd.f32 v3, v12;
	v12 =	vmul.f32 $5.120000000e+02, v17;
	v17 =	vcvt.f32.s32 v19;
	[tilespmem:v10+s18+$0x0] =	vst.idx.add.s32.msk $0xffff, v5  }
0xcc: {  	v10 =	vtrunc.f32 v11;
	v19 =	vadd.f32 v3, v16;
	v15 =	vmul.f32 $5.120000000e+02, v15;
	[tilespmem:v14+s18+$0x0] =	vst.idx.add.s32.msk $0xffff, v5  }
0xcd: {  	v14 =	vmul.f32 $5.120000000e+02, v18;
	v18 =	vadd.f32 v3, v12;
	vm0 =	vgt.s32 v17, v1;
	[tilespmem:v13+s18+$0x0] =	vst.idx.add.s32.msk $0xffff, v5  }
.Ltmp4:
0xce: {  	v11 =	vtrunc.f32 v8;
	v13 =	vadd.f32 v3, v15;
	v8 =	vsel vm0, v17, v1;
	[tilespmem:v26+s18+$0x0] =	vst.idx.add.s32.msk $0xffff, v5;
	(pc) =	sbr.rel @p0 .LBB2_7-.Ltmp4, $4  }
0xcf: {  	v16 =	vtrunc.f32 v9;
	v14 =	vadd.f32 v3, v14;
	v12 =	vmin.u32 v8, v4;
	[tilespmem:v21+s18+$0x0] =	vst.idx.add.s32.msk $0xffff, v5  }
0xd0: {  	v17 =	vtrunc.f32 v19;
	v18 =	vtrunc.f32 v18;
	v8 =	vmin.u32 v23, v4  }
0xd1: {  	v9 =	vmin.u32 v24, v4;
	v15 =	vtrunc.f32 v13;
	v14 =	vtrunc.f32 v14  }
0xd2: {  	s28 =	sadd.s32 $0x80, s28;
	v13 =	vcvt.f32.s32 v10;
	v10 =	vmin.u32 v25, v4;
	v14 =	vcvt.f32.s32 v14  }
0xd3: {  	_ =	sdelay $0x3  }
0xd4: {  	[tilespmem:v12+s18+$0x0] =	vst.idx.add.s32.msk $0xffff, v5  }
0xd5: {  	v11 =	vcvt.f32.s32 v11;
	v16 =	vcvt.f32.s32 v16;
	[tilespmem:v8+s18+$0x0] =	vst.idx.add.s32.msk $0xffff, v5  }
0xd6: {  	v17 =	vcvt.f32.s32 v17;
	v18 =	vcvt.f32.s32 v18;
	[tilespmem:v9+s18+$0x0] =	vst.idx.add.s32.msk $0xffff, v5;
	vm0 =	vgt.s32 v14, v1  }
0xd7: {  	v12 =	vcvt.f32.s32 v15;
	[tilespmem:v10+s18+$0x0] =	vst.idx.add.s32.msk $0xffff, v5;
	vm1 =	vgt.s32 v13, v1;
	v14 =	vsel vm0, v14, v1  }
0xd8: {  	vm2 =	vgt.s32 v11, v1;
	v13 =	vsel vm1, v13, v1;
	v14 =	vmin.u32 v14, v4  }
0xd9: {  	vm3 =	vgt.s32 v16, v1;
	v11 =	vsel vm2, v11, v1;
	v13 =	vmin.u32 v13, v4  }
0xda: {  	vm4 =	vgt.s32 v17, v1;
	v15 =	vsel vm3, v16, v1;
	v11 =	vmin.u32 v11, v4  }
0xdb: {  	vm6 =	vgt.s32 v18, v1;
	v8 =	vsel vm4, v17, v1;
	v15 =	vmin.u32 v15, v4  }
0xdc: {  	vm7 =	vgt.s32 v12, v1;
	v9 =	vsel vm6, v18, v1;
	v8 =	vmin.u32 v8, v4  }
0xdd: {  	v10 =	vsel vm7, v12, v1;
	v9 =	vmin.u32 v9, v4;
	[tilespmem:v14+s18+$0x0] =	vst.idx.add.s32.msk $0xffff, v5  }
0xde: {  	v10 =	vmin.u32 v10, v4;
	[tilespmem:v13+s18+$0x0] =	vst.idx.add.s32.msk $0xffff, v5  }
0xdf: {  	[tilespmem:v11+s18+$0x0] =	vst.idx.add.s32.msk $0xffff, v5  }
0xe0: {  	[tilespmem:v15+s18+$0x0] =	vst.idx.add.s32.msk $0xffff, v5  }
0xe1: {  	[tilespmem:v8+s18+$0x0] =	vst.idx.add.s32.msk $0xffff, v5  }
0xe2: {  	[tilespmem:v9+s18+$0x0] =	vst.idx.add.s32.msk $0xffff, v5  }
0xe3: {  	[tilespmem:v10+s18+$0x0] =	vst.idx.add.s32.msk $0xffff, v5  }
0xe4: {  	_ =	swait.ge [sflag:s17], $0x3100  }
0xe5: {  	[sflag:s17] =	ssyncset.done $0x0  }
0xe6: {  	s26 =	simm.s32 $0x6270;
	[sflag:s17] =	ssyncadd.s32 $0xFFFFCF00  }
0xe7: {  	v8 =	vld [tilespmem:s26+$0x0]  }
0xe8: {  	v9 =	vld [tilespmem:s26+$0xFFFFFFA0]  }
0xe9: {  	v10 =	vld [tilespmem:s26+$0xFFFFFFB0]  }
0xea: {  	v11 =	vld [tilespmem:s26+$0xFFFFFFC0]  }
0xeb: {  	v12 =	vld [tilespmem:s26+$0xFFFFFFD0]  }
0xec: {  	v13 =	vld [tilespmem:s26+$0xFFFFFFE0]  }
0xed: {  	v14 =	vld [tilespmem:s26+$0xFFFFFFF0]  }
0xee: {  	s31 =	simm.s32 $0x62F0;
	v15 =	vld [tilespmem:s26+$0xFFFFFF90]  }
0xef: {  	v16 =	vld [tilespmem:s31+$0x0]  }
0xf0: {  	v18 =	vld [tilespmem:s31+$0xFFFFFFB0];
	v8 =	vmul.f32 $5.120000000e+02, v8  }
0xf1: {  	v19 =	vld [tilespmem:s31+$0xFFFFFFC0];
	v9 =	vmul.f32 $5.120000000e+02, v9;
	v10 =	vmul.f32 $5.120000000e+02, v10  }
0xf2: {  	v11 =	vmul.f32 $5.120000000e+02, v11;
	v12 =	vmul.f32 $5.120000000e+02, v12  }
0xf3: {  	v13 =	vmul.f32 $5.120000000e+02, v13;
	v14 =	vmul.f32 $5.120000000e+02, v14  }
0xf4: {  	v15 =	vmul.f32 $5.120000000e+02, v15;
	v16 =	vmul.f32 $5.120000000e+02, v16;
	v8 =	vadd.f32 v3, v8  }
0xf5: {  	v18 =	vmul.f32 $5.120000000e+02, v18;
	v9 =	vadd.f32 v3, v9;
	v10 =	vadd.f32 v3, v10  }
0xf6: {  	v19 =	vmul.f32 $5.120000000e+02, v19;
	v11 =	vadd.f32 v3, v11;
	v12 =	vadd.f32 v3, v12  }
0xf7: {  	v13 =	vadd.f32 v3, v13;
	v14 =	vadd.f32 v3, v14;
	v8 =	vtrunc.f32 v8  }
0xf8: {  	v15 =	vadd.f32 v3, v15;
	v9 =	vtrunc.f32 v9;
	v10 =	vtrunc.f32 v10  }
0xf9: {  	v16 =	vadd.f32 v3, v16;
	v11 =	vtrunc.f32 v11;
	v12 =	vtrunc.f32 v12  }
0xfa: {  	v13 =	vtrunc.f32 v13;
	v15 =	vtrunc.f32 v15  }
0xfb: {  	v14 =	vtrunc.f32 v14;
	v16 =	vtrunc.f32 v16  }
0xfc: {  	v8 =	vcvt.f32.s32 v8;
	v15 =	vcvt.f32.s32 v15  }
0xfd: {  	v9 =	vcvt.f32.s32 v9;
	v10 =	vcvt.f32.s32 v10  }
0xfe: {  	v11 =	vcvt.f32.s32 v11;
	v12 =	vcvt.f32.s32 v12  }
0xff: {  	v19 =	vadd.f32 v3, v19;
	v13 =	vcvt.f32.s32 v13;
	v14 =	vcvt.f32.s32 v14  }
0x100: {  	v17 =	vld [tilespmem:s31+$0xFFFFFFA0];
	v16 =	vcvt.f32.s32 v16;
	vm8 =	vgt.s32 v8, v1;
	vm9 =	vgt.s32 v15, v1  }
0x101: {  	vm10 =	vgt.s32 v9, v1;
	vm11 =	vgt.s32 v10, v1;
	vm12 =	vgt.s32 v11, v1  }
0x102: {  	v20 =	vld [tilespmem:s31+$0xFFFFFFD0];
	vm13 =	vgt.s32 v12, v1;
	vm5 =	vgt.s32 v13, v1;
	vm14 =	vgt.s32 v14, v1  }
0x103: {  	v23 =	vld [tilespmem:s31+$0xFFFFFF90];
	v8 =	vsel vm8, v8, v1;
	v15 =	vsel vm9, v15, v1;
	v9 =	vsel vm10, v9, v1  }
0x104: {  	v11 =	vsel vm12, v11, v1;
	v21 =	vsel vm13, v12, v1;
	v12 =	vld [tilespmem:s31+$0xFFFFFFE0];
	v8 =	vmin.u32 v8, v4  }
0x105: {  	v22 =	vsel vm14, v14, v1;
	v14 =	vmul.f32 $5.120000000e+02, v17;
	v17 =	vld [tilespmem:s31+$0xFFFFFFF0];
	v15 =	vmin.u32 v15, v4  }
0x106: {  	v9 =	vmin.u32 v9, v4;
	v24 =	vmin.u32 v11, v4;
	v11 =	vadd.f32 v3, v18  }
0x107: {  	v10 =	vsel vm11, v10, v1;
	v18 =	vmul.f32 $5.120000000e+02, v20;
	v14 =	vadd.f32 v3, v14  }
0x108: {  	vm15 =	vgt.s32 v16, v1;
	v10 =	vmin.u32 v10, v4;
	v11 =	vtrunc.f32 v11  }
0x109: {  	v20 =	vtrunc.f32 v14;
	v14 =	vadd.f32 v3, v18;
	v18 =	vmul.f32 $5.120000000e+02, v23;
	[tilespmem:v8+s18+$0x0] =	vst.idx.add.s32.msk $0xffff, v5  }
0x10a: {  	v13 =	vsel vm5, v13, v1;
	v12 =	vmul.f32 $5.120000000e+02, v12;
	v17 =	vmul.f32 $5.120000000e+02, v17;
	[tilespmem:v15+s18+$0x0] =	vst.idx.add.s32.msk $0xffff, v5  }
0x10b: {  	v8 =	vsel vm15, v16, v1;
	v15 =	vadd.f32 v3, v18;
	v16 =	vtrunc.f32 v19;
	[tilespmem:v9+s18+$0x0] =	vst.idx.add.s32.msk $0xffff, v5  }
0x10c: {  	v9 =	vmin.u32 v13, v4;
	v63 =	vadd.f32 v3, v12;
	v12 =	vmin.u32 v8, v4  }
0x10d: {  	v13 =	vcvt.f32.s32 v20;
	v25 =	vadd.f32 v3, v17;
	v17 =	vtrunc.f32 v14  }
0x10e: {  	[tilespmem:v10+s18+$0x0] =	vst.idx.add.s32.msk $0xffff, v5;
	v8 =	vmin.u32 v21, v4;
	v10 =	vtrunc.f32 v15;
	v18 =	vtrunc.f32 v63  }
0x10f: {  	s28 =	simm.s32 $0x6370;
	s26 =	simm.s32 $0x8;
	[tilespmem:v24+s18+$0x0] =	vst.idx.add.s32.msk $0xffff, v5;
	v15 =	vtrunc.f32 v25;
	v14 =	vcvt.f32.s32 v10;
	v10 =	vmin.u32 v22, v4  }
.LBB2_9:
0x110: {  	v19 =	vld [tilespmem:s28+$0x0];
	v11 =	vcvt.f32.s32 v11;
	v16 =	vcvt.f32.s32 v16  }
0x111: {  	s26 =	sadd.s32 $0x8, s26;
	v17 =	vcvt.f32.s32 v17;
	v18 =	vcvt.f32.s32 v18;
	vm0 =	vgt.s32 v14, v1;
	[tilespmem:v12+s18+$0x0] =	vst.idx.add.s32.msk $0xffff, v5  }
0x112: {  	v15 =	vcvt.f32.s32 v15;
	p0 =	slt.u32 s26, $0x308;
	vm1 =	vgt.s32 v13, v1;
	v12 =	vld [tilespmem:s28+$0xFFFFFFA0];
	vm2 =	vgt.s32 v11, v1  }
0x113: {  	vm3 =	vgt.s32 v16, v1;
	vm4 =	vgt.s32 v17, v1;
	vm5 =	vgt.s32 v18, v1;
	v20 =	vld [tilespmem:s28+$0xFFFFFFB0]  }
0x114: {  	v14 =	vsel vm0, v14, v1;
	v13 =	vsel vm1, v13, v1;
	vm0 =	vgt.s32 v15, v1;
	v21 =	vld [tilespmem:s28+$0xFFFFFFC0]  }
0x115: {  	v11 =	vsel vm2, v11, v1;
	v16 =	vsel vm3, v16, v1;
	v23 =	vsel vm4, v17, v1;
	v22 =	vld [tilespmem:s28+$0xFFFFFFD0]  }
0x116: {  	v24 =	vsel vm5, v18, v1;
	v25 =	vsel vm0, v15, v1;
	v19 =	vmul.f32 $5.120000000e+02, v19;
	v17 =	vld [tilespmem:s28+$0xFFFFFFE0]  }
0x117: {  	v14 =	vmin.u32 v14, v4;
	v13 =	vmin.u32 v13, v4;
	v12 =	vmul.f32 $5.120000000e+02, v12;
	v15 =	vld [tilespmem:s28+$0xFFFFFFF0]  }
0x118: {  	v26 =	vmin.u32 v11, v4;
	v19 =	vadd.f32 v3, v19;
	v18 =	vld [tilespmem:s28+$0xFFFFFF90];
	v20 =	vmul.f32 $5.120000000e+02, v20  }
0x119: {  	v11 =	vadd.f32 v3, v12;
	v12 =	vmul.f32 $5.120000000e+02, v21;
	v21 =	vmin.u32 v16, v4;
	[tilespmem:v8+s18+$0x0] =	vst.idx.add.s32.msk $0xffff, v5  }
0x11a: {  	v19 =	vtrunc.f32 v19;
	v8 =	vadd.f32 v3, v20;
	v16 =	vmul.f32 $5.120000000e+02, v22;
	[tilespmem:v9+s18+$0x0] =	vst.idx.add.s32.msk $0xffff, v5  }
0x11b: {  	v9 =	vadd.f32 v3, v12;
	v12 =	vmul.f32 $5.120000000e+02, v17;
	v17 =	vcvt.f32.s32 v19;
	[tilespmem:v10+s18+$0x0] =	vst.idx.add.s32.msk $0xffff, v5  }
0x11c: {  	v10 =	vtrunc.f32 v11;
	v19 =	vadd.f32 v3, v16;
	v15 =	vmul.f32 $5.120000000e+02, v15;
	[tilespmem:v14+s18+$0x0] =	vst.idx.add.s32.msk $0xffff, v5  }
0x11d: {  	v14 =	vmul.f32 $5.120000000e+02, v18;
	v18 =	vadd.f32 v3, v12;
	vm0 =	vgt.s32 v17, v1;
	[tilespmem:v13+s18+$0x0] =	vst.idx.add.s32.msk $0xffff, v5  }
.Ltmp5:
0x11e: {  	v11 =	vtrunc.f32 v8;
	v13 =	vadd.f32 v3, v15;
	v8 =	vsel vm0, v17, v1;
	[tilespmem:v26+s18+$0x0] =	vst.idx.add.s32.msk $0xffff, v5;
	(pc) =	sbr.rel @p0 .LBB2_9-.Ltmp5, $4  }
0x11f: {  	v16 =	vtrunc.f32 v9;
	v14 =	vadd.f32 v3, v14;
	v12 =	vmin.u32 v8, v4;
	[tilespmem:v21+s18+$0x0] =	vst.idx.add.s32.msk $0xffff, v5  }
0x120: {  	v17 =	vtrunc.f32 v19;
	v18 =	vtrunc.f32 v18;
	v8 =	vmin.u32 v23, v4  }
0x121: {  	v9 =	vmin.u32 v24, v4;
	v15 =	vtrunc.f32 v13;
	v14 =	vtrunc.f32 v14  }
0x122: {  	s28 =	sadd.s32 $0x80, s28;
	v13 =	vcvt.f32.s32 v10;
	v10 =	vmin.u32 v25, v4;
	v14 =	vcvt.f32.s32 v14  }
0x123: {  	_ =	sdelay $0x3  }
0x124: {  	[tilespmem:v12+s18+$0x0] =	vst.idx.add.s32.msk $0xffff, v5  }
0x125: {  	v11 =	vcvt.f32.s32 v11;
	v16 =	vcvt.f32.s32 v16;
	[tilespmem:v8+s18+$0x0] =	vst.idx.add.s32.msk $0xffff, v5  }
0x126: {  	v17 =	vcvt.f32.s32 v17;
	v18 =	vcvt.f32.s32 v18;
	[tilespmem:v9+s18+$0x0] =	vst.idx.add.s32.msk $0xffff, v5;
	vm0 =	vgt.s32 v14, v1  }
0x127: {  	v12 =	vcvt.f32.s32 v15;
	[tilespmem:v10+s18+$0x0] =	vst.idx.add.s32.msk $0xffff, v5;
	vm1 =	vgt.s32 v13, v1;
	v14 =	vsel vm0, v14, v1  }
0x128: {  	vm2 =	vgt.s32 v11, v1;
	v13 =	vsel vm1, v13, v1;
	v14 =	vmin.u32 v14, v4  }
0x129: {  	vm3 =	vgt.s32 v16, v1;
	v11 =	vsel vm2, v11, v1;
	v13 =	vmin.u32 v13, v4  }
0x12a: {  	vm4 =	vgt.s32 v17, v1;
	v15 =	vsel vm3, v16, v1;
	v11 =	vmin.u32 v11, v4  }
0x12b: {  	vm6 =	vgt.s32 v18, v1;
	v8 =	vsel vm4, v17, v1;
	v15 =	vmin.u32 v15, v4  }
0x12c: {  	vm7 =	vgt.s32 v12, v1;
	v9 =	vsel vm6, v18, v1;
	v8 =	vmin.u32 v8, v4  }
0x12d: {  	v10 =	vsel vm7, v12, v1;
	v9 =	vmin.u32 v9, v4;
	[tilespmem:v14+s18+$0x0] =	vst.idx.add.s32.msk $0xffff, v5  }
0x12e: {  	v10 =	vmin.u32 v10, v4;
	[tilespmem:v13+s18+$0x0] =	vst.idx.add.s32.msk $0xffff, v5  }
0x12f: {  	[tilespmem:v11+s18+$0x0] =	vst.idx.add.s32.msk $0xffff, v5  }
0x130: {  	[tilespmem:v15+s18+$0x0] =	vst.idx.add.s32.msk $0xffff, v5  }
0x131: {  	[tilespmem:v8+s18+$0x0] =	vst.idx.add.s32.msk $0xffff, v5  }
0x132: {  	[tilespmem:v9+s18+$0x0] =	vst.idx.add.s32.msk $0xffff, v5  }
0x133: {  	[tilespmem:v10+s18+$0x0] =	vst.idx.add.s32.msk $0xffff, v5  }
0x134: {  	_ =	swait.ge [sflag:s17], $0x3100  }
0x135: {  	[sflag:s17] =	ssyncset.done $0x0  }
0x136: {  	s26 =	simm.s32 $0x9370;
	[sflag:s17] =	ssyncadd.s32 $0xFFFFCF00  }
0x137: {  	v8 =	vld [tilespmem:s26+$0x0]  }
0x138: {  	v9 =	vld [tilespmem:s26+$0xFFFFFFA0]  }
0x139: {  	v10 =	vld [tilespmem:s26+$0xFFFFFFB0]  }
0x13a: {  	v11 =	vld [tilespmem:s26+$0xFFFFFFC0]  }
0x13b: {  	v12 =	vld [tilespmem:s26+$0xFFFFFFD0]  }
0x13c: {  	v13 =	vld [tilespmem:s26+$0xFFFFFFE0]  }
0x13d: {  	v14 =	vld [tilespmem:s26+$0xFFFFFFF0]  }
0x13e: {  	s31 =	simm.s32 $0x93F0;
	v15 =	vld [tilespmem:s26+$0xFFFFFF90]  }
0x13f: {  	v16 =	vld [tilespmem:s31+$0x0]  }
0x140: {  	v18 =	vld [tilespmem:s31+$0xFFFFFFB0];
	v8 =	vmul.f32 $5.120000000e+02, v8  }
0x141: {  	v19 =	vld [tilespmem:s31+$0xFFFFFFC0];
	v9 =	vmul.f32 $5.120000000e+02, v9;
	v10 =	vmul.f32 $5.120000000e+02, v10  }
0x142: {  	v11 =	vmul.f32 $5.120000000e+02, v11;
	v12 =	vmul.f32 $5.120000000e+02, v12  }
0x143: {  	v13 =	vmul.f32 $5.120000000e+02, v13;
	v14 =	vmul.f32 $5.120000000e+02, v14  }
0x144: {  	v15 =	vmul.f32 $5.120000000e+02, v15;
	v16 =	vmul.f32 $5.120000000e+02, v16;
	v8 =	vadd.f32 v3, v8  }
0x145: {  	v18 =	vmul.f32 $5.120000000e+02, v18;
	v9 =	vadd.f32 v3, v9;
	v10 =	vadd.f32 v3, v10  }
0x146: {  	v19 =	vmul.f32 $5.120000000e+02, v19;
	v11 =	vadd.f32 v3, v11;
	v12 =	vadd.f32 v3, v12  }
0x147: {  	v13 =	vadd.f32 v3, v13;
	v14 =	vadd.f32 v3, v14;
	v8 =	vtrunc.f32 v8  }
0x148: {  	v15 =	vadd.f32 v3, v15;
	v9 =	vtrunc.f32 v9;
	v10 =	vtrunc.f32 v10  }
0x149: {  	v16 =	vadd.f32 v3, v16;
	v11 =	vtrunc.f32 v11;
	v12 =	vtrunc.f32 v12  }
0x14a: {  	v13 =	vtrunc.f32 v13;
	v15 =	vtrunc.f32 v15  }
0x14b: {  	v14 =	vtrunc.f32 v14;
	v16 =	vtrunc.f32 v16  }
0x14c: {  	v8 =	vcvt.f32.s32 v8;
	v15 =	vcvt.f32.s32 v15  }
0x14d: {  	v9 =	vcvt.f32.s32 v9;
	v10 =	vcvt.f32.s32 v10  }
0x14e: {  	v11 =	vcvt.f32.s32 v11;
	v12 =	vcvt.f32.s32 v12  }
0x14f: {  	v19 =	vadd.f32 v3, v19;
	v13 =	vcvt.f32.s32 v13;
	v14 =	vcvt.f32.s32 v14  }
0x150: {  	v17 =	vld [tilespmem:s31+$0xFFFFFFA0];
	v16 =	vcvt.f32.s32 v16;
	vm8 =	vgt.s32 v8, v1;
	vm9 =	vgt.s32 v15, v1  }
0x151: {  	vm10 =	vgt.s32 v9, v1;
	vm11 =	vgt.s32 v10, v1;
	vm12 =	vgt.s32 v11, v1  }
0x152: {  	v20 =	vld [tilespmem:s31+$0xFFFFFFD0];
	vm13 =	vgt.s32 v12, v1;
	vm5 =	vgt.s32 v13, v1;
	vm14 =	vgt.s32 v14, v1  }
0x153: {  	v23 =	vld [tilespmem:s31+$0xFFFFFF90];
	v8 =	vsel vm8, v8, v1;
	v15 =	vsel vm9, v15, v1;
	v9 =	vsel vm10, v9, v1  }
0x154: {  	v11 =	vsel vm12, v11, v1;
	v21 =	vsel vm13, v12, v1;
	v12 =	vld [tilespmem:s31+$0xFFFFFFE0];
	v8 =	vmin.u32 v8, v4  }
0x155: {  	v22 =	vsel vm14, v14, v1;
	v14 =	vmul.f32 $5.120000000e+02, v17;
	v17 =	vld [tilespmem:s31+$0xFFFFFFF0];
	v15 =	vmin.u32 v15, v4  }
0x156: {  	v9 =	vmin.u32 v9, v4;
	v24 =	vmin.u32 v11, v4;
	v11 =	vadd.f32 v3, v18  }
0x157: {  	v10 =	vsel vm11, v10, v1;
	v18 =	vmul.f32 $5.120000000e+02, v20;
	v14 =	vadd.f32 v3, v14  }
0x158: {  	vm15 =	vgt.s32 v16, v1;
	v10 =	vmin.u32 v10, v4;
	v11 =	vtrunc.f32 v11  }
0x159: {  	v20 =	vtrunc.f32 v14;
	v14 =	vadd.f32 v3, v18;
	v18 =	vmul.f32 $5.120000000e+02, v23;
	[tilespmem:v8+s18+$0x0] =	vst.idx.add.s32.msk $0xffff, v5  }
0x15a: {  	v13 =	vsel vm5, v13, v1;
	v12 =	vmul.f32 $5.120000000e+02, v12;
	v17 =	vmul.f32 $5.120000000e+02, v17;
	[tilespmem:v15+s18+$0x0] =	vst.idx.add.s32.msk $0xffff, v5  }
0x15b: {  	v8 =	vsel vm15, v16, v1;
	v15 =	vadd.f32 v3, v18;
	v16 =	vtrunc.f32 v19;
	[tilespmem:v9+s18+$0x0] =	vst.idx.add.s32.msk $0xffff, v5  }
0x15c: {  	v9 =	vmin.u32 v13, v4;
	v63 =	vadd.f32 v3, v12;
	v12 =	vmin.u32 v8, v4  }
0x15d: {  	v13 =	vcvt.f32.s32 v20;
	v25 =	vadd.f32 v3, v17;
	v17 =	vtrunc.f32 v14  }
0x15e: {  	[tilespmem:v10+s18+$0x0] =	vst.idx.add.s32.msk $0xffff, v5;
	v8 =	vmin.u32 v21, v4;
	v10 =	vtrunc.f32 v15;
	v18 =	vtrunc.f32 v63  }
0x15f: {  	s28 =	simm.s32 $0x9470;
	s26 =	simm.s32 $0x8;
	[tilespmem:v24+s18+$0x0] =	vst.idx.add.s32.msk $0xffff, v5;
	v15 =	vtrunc.f32 v25;
	v14 =	vcvt.f32.s32 v10;
	v10 =	vmin.u32 v22, v4  }
.LBB2_11:
0x160: {  	v19 =	vld [tilespmem:s28+$0x0];
	v11 =	vcvt.f32.s32 v11;
	v16 =	vcvt.f32.s32 v16  }
0x161: {  	s26 =	sadd.s32 $0x8, s26;
	v17 =	vcvt.f32.s32 v17;
	v18 =	vcvt.f32.s32 v18;
	vm0 =	vgt.s32 v14, v1;
	[tilespmem:v12+s18+$0x0] =	vst.idx.add.s32.msk $0xffff, v5  }
0x162: {  	v15 =	vcvt.f32.s32 v15;
	p0 =	slt.u32 s26, $0x308;
	vm1 =	vgt.s32 v13, v1;
	v12 =	vld [tilespmem:s28+$0xFFFFFFA0];
	vm2 =	vgt.s32 v11, v1  }
0x163: {  	vm3 =	vgt.s32 v16, v1;
	vm4 =	vgt.s32 v17, v1;
	vm5 =	vgt.s32 v18, v1;
	v20 =	vld [tilespmem:s28+$0xFFFFFFB0]  }
0x164: {  	v14 =	vsel vm0, v14, v1;
	v13 =	vsel vm1, v13, v1;
	vm0 =	vgt.s32 v15, v1;
	v21 =	vld [tilespmem:s28+$0xFFFFFFC0]  }
0x165: {  	v11 =	vsel vm2, v11, v1;
	v16 =	vsel vm3, v16, v1;
	v23 =	vsel vm4, v17, v1;
	v22 =	vld [tilespmem:s28+$0xFFFFFFD0]  }
0x166: {  	v24 =	vsel vm5, v18, v1;
	v25 =	vsel vm0, v15, v1;
	v19 =	vmul.f32 $5.120000000e+02, v19;
	v17 =	vld [tilespmem:s28+$0xFFFFFFE0]  }
0x167: {  	v14 =	vmin.u32 v14, v4;
	v13 =	vmin.u32 v13, v4;
	v12 =	vmul.f32 $5.120000000e+02, v12;
	v15 =	vld [tilespmem:s28+$0xFFFFFFF0]  }
0x168: {  	v26 =	vmin.u32 v11, v4;
	v19 =	vadd.f32 v3, v19;
	v18 =	vld [tilespmem:s28+$0xFFFFFF90];
	v20 =	vmul.f32 $5.120000000e+02, v20  }
0x169: {  	v11 =	vadd.f32 v3, v12;
	v12 =	vmul.f32 $5.120000000e+02, v21;
	v21 =	vmin.u32 v16, v4;
	[tilespmem:v8+s18+$0x0] =	vst.idx.add.s32.msk $0xffff, v5  }
0x16a: {  	v19 =	vtrunc.f32 v19;
	v8 =	vadd.f32 v3, v20;
	v16 =	vmul.f32 $5.120000000e+02, v22;
	[tilespmem:v9+s18+$0x0] =	vst.idx.add.s32.msk $0xffff, v5  }
0x16b: {  	v9 =	vadd.f32 v3, v12;
	v12 =	vmul.f32 $5.120000000e+02, v17;
	v17 =	vcvt.f32.s32 v19;
	[tilespmem:v10+s18+$0x0] =	vst.idx.add.s32.msk $0xffff, v5  }
0x16c: {  	v10 =	vtrunc.f32 v11;
	v19 =	vadd.f32 v3, v16;
	v15 =	vmul.f32 $5.120000000e+02, v15;
	[tilespmem:v14+s18+$0x0] =	vst.idx.add.s32.msk $0xffff, v5  }
0x16d: {  	v14 =	vmul.f32 $5.120000000e+02, v18;
	v18 =	vadd.f32 v3, v12;
	vm0 =	vgt.s32 v17, v1;
	[tilespmem:v13+s18+$0x0] =	vst.idx.add.s32.msk $0xffff, v5  }
.Ltmp6:
0x16e: {  	v11 =	vtrunc.f32 v8;
	v13 =	vadd.f32 v3, v15;
	v8 =	vsel vm0, v17, v1;
	[tilespmem:v26+s18+$0x0] =	vst.idx.add.s32.msk $0xffff, v5;
	(pc) =	sbr.rel @p0 .LBB2_11-.Ltmp6, $4  }
0x16f: {  	v16 =	vtrunc.f32 v9;
	v14 =	vadd.f32 v3, v14;
	v12 =	vmin.u32 v8, v4;
	[tilespmem:v21+s18+$0x0] =	vst.idx.add.s32.msk $0xffff, v5  }
0x170: {  	v17 =	vtrunc.f32 v19;
	v18 =	vtrunc.f32 v18;
	v8 =	vmin.u32 v23, v4  }
0x171: {  	v9 =	vmin.u32 v24, v4;
	v15 =	vtrunc.f32 v13;
	v14 =	vtrunc.f32 v14  }
0x172: {  	s28 =	sadd.s32 $0x80, s28;
	v13 =	vcvt.f32.s32 v10;
	v10 =	vmin.u32 v25, v4;
	v14 =	vcvt.f32.s32 v14  }
0x173: {  	_ =	sdelay $0x3  }
0x174: {  	[tilespmem:v12+s18+$0x0] =	vst.idx.add.s32.msk $0xffff, v5  }
0x175: {  	v11 =	vcvt.f32.s32 v11;
	v16 =	vcvt.f32.s32 v16;
	[tilespmem:v8+s18+$0x0] =	vst.idx.add.s32.msk $0xffff, v5  }
0x176: {  	v17 =	vcvt.f32.s32 v17;
	v18 =	vcvt.f32.s32 v18;
	[tilespmem:v9+s18+$0x0] =	vst.idx.add.s32.msk $0xffff, v5;
	vm0 =	vgt.s32 v14, v1  }
0x177: {  	v12 =	vcvt.f32.s32 v15;
	[tilespmem:v10+s18+$0x0] =	vst.idx.add.s32.msk $0xffff, v5;
	vm1 =	vgt.s32 v13, v1;
	v14 =	vsel vm0, v14, v1  }
0x178: {  	vm2 =	vgt.s32 v11, v1;
	v13 =	vsel vm1, v13, v1;
	v14 =	vmin.u32 v14, v4  }
0x179: {  	vm3 =	vgt.s32 v16, v1;
	v11 =	vsel vm2, v11, v1;
	v13 =	vmin.u32 v13, v4  }
0x17a: {  	vm4 =	vgt.s32 v17, v1;
	v15 =	vsel vm3, v16, v1;
	v11 =	vmin.u32 v11, v4  }
0x17b: {  	vm6 =	vgt.s32 v18, v1;
	v8 =	vsel vm4, v17, v1;
	v15 =	vmin.u32 v15, v4  }
0x17c: {  	vm7 =	vgt.s32 v12, v1;
	v9 =	vsel vm6, v18, v1;
	v8 =	vmin.u32 v8, v4  }
0x17d: {  	v10 =	vsel vm7, v12, v1;
	v9 =	vmin.u32 v9, v4;
	[tilespmem:v14+s18+$0x0] =	vst.idx.add.s32.msk $0xffff, v5  }
0x17e: {  	v10 =	vmin.u32 v10, v4;
	[tilespmem:v13+s18+$0x0] =	vst.idx.add.s32.msk $0xffff, v5  }
0x17f: {  	[tilespmem:v11+s18+$0x0] =	vst.idx.add.s32.msk $0xffff, v5  }
0x180: {  	[tilespmem:v15+s18+$0x0] =	vst.idx.add.s32.msk $0xffff, v5  }
0x181: {  	[tilespmem:v8+s18+$0x0] =	vst.idx.add.s32.msk $0xffff, v5  }
0x182: {  	[tilespmem:v9+s18+$0x0] =	vst.idx.add.s32.msk $0xffff, v5  }
0x183: {  	[tilespmem:v10+s18+$0x0] =	vst.idx.add.s32.msk $0xffff, v5  }
0x184: {  	_ =	swait.ge [sflag:s17], $0x3100  }
0x185: {  	[sflag:s17] =	ssyncset.done $0x0  }
0x186: {  	s26 =	simm.s32 $0xC470;
	[sflag:s17] =	ssyncadd.s32 $0xFFFFCF00  }
0x187: {  	v8 =	vld [tilespmem:s26+$0x0]  }
0x188: {  	v9 =	vld [tilespmem:s26+$0xFFFFFFA0]  }
0x189: {  	v10 =	vld [tilespmem:s26+$0xFFFFFFB0]  }
0x18a: {  	v11 =	vld [tilespmem:s26+$0xFFFFFFC0]  }
0x18b: {  	v12 =	vld [tilespmem:s26+$0xFFFFFFD0]  }
0x18c: {  	v13 =	vld [tilespmem:s26+$0xFFFFFFE0]  }
0x18d: {  	v14 =	vld [tilespmem:s26+$0xFFFFFFF0]  }
0x18e: {  	s31 =	simm.s32 $0xC4F0;
	v15 =	vld [tilespmem:s26+$0xFFFFFF90]  }
0x18f: {  	v16 =	vld [tilespmem:s31+$0x0]  }
0x190: {  	v18 =	vld [tilespmem:s31+$0xFFFFFFB0];
	v8 =	vmul.f32 $5.120000000e+02, v8  }
0x191: {  	v19 =	vld [tilespmem:s31+$0xFFFFFFC0];
	v9 =	vmul.f32 $5.120000000e+02, v9;
	v10 =	vmul.f32 $5.120000000e+02, v10  }
0x192: {  	v11 =	vmul.f32 $5.120000000e+02, v11;
	v12 =	vmul.f32 $5.120000000e+02, v12  }
0x193: {  	v13 =	vmul.f32 $5.120000000e+02, v13;
	v14 =	vmul.f32 $5.120000000e+02, v14  }
0x194: {  	v15 =	vmul.f32 $5.120000000e+02, v15;
	v16 =	vmul.f32 $5.120000000e+02, v16;
	v8 =	vadd.f32 v3, v8  }
0x195: {  	v18 =	vmul.f32 $5.120000000e+02, v18;
	v9 =	vadd.f32 v3, v9;
	v10 =	vadd.f32 v3, v10  }
0x196: {  	v19 =	vmul.f32 $5.120000000e+02, v19;
	v11 =	vadd.f32 v3, v11;
	v12 =	vadd.f32 v3, v12  }
0x197: {  	v13 =	vadd.f32 v3, v13;
	v14 =	vadd.f32 v3, v14;
	v8 =	vtrunc.f32 v8  }
0x198: {  	v15 =	vadd.f32 v3, v15;
	v9 =	vtrunc.f32 v9;
	v10 =	vtrunc.f32 v10  }
0x199: {  	v16 =	vadd.f32 v3, v16;
	v11 =	vtrunc.f32 v11;
	v12 =	vtrunc.f32 v12  }
0x19a: {  	v13 =	vtrunc.f32 v13;
	v15 =	vtrunc.f32 v15  }
0x19b: {  	v14 =	vtrunc.f32 v14;
	v16 =	vtrunc.f32 v16  }
0x19c: {  	v8 =	vcvt.f32.s32 v8;
	v15 =	vcvt.f32.s32 v15  }
0x19d: {  	v9 =	vcvt.f32.s32 v9;
	v10 =	vcvt.f32.s32 v10  }
0x19e: {  	v11 =	vcvt.f32.s32 v11;
	v12 =	vcvt.f32.s32 v12  }
0x19f: {  	v19 =	vadd.f32 v3, v19;
	v13 =	vcvt.f32.s32 v13;
	v14 =	vcvt.f32.s32 v14  }
0x1a0: {  	v17 =	vld [tilespmem:s31+$0xFFFFFFA0];
	v16 =	vcvt.f32.s32 v16;
	vm8 =	vgt.s32 v8, v1;
	vm9 =	vgt.s32 v15, v1  }
0x1a1: {  	vm10 =	vgt.s32 v9, v1;
	vm11 =	vgt.s32 v10, v1;
	vm12 =	vgt.s32 v11, v1  }
0x1a2: {  	v20 =	vld [tilespmem:s31+$0xFFFFFFD0];
	vm13 =	vgt.s32 v12, v1;
	vm5 =	vgt.s32 v13, v1;
	vm14 =	vgt.s32 v14, v1  }
0x1a3: {  	v23 =	vld [tilespmem:s31+$0xFFFFFF90];
	v8 =	vsel vm8, v8, v1;
	v15 =	vsel vm9, v15, v1;
	v9 =	vsel vm10, v9, v1  }
0x1a4: {  	v11 =	vsel vm12, v11, v1;
	v21 =	vsel vm13, v12, v1;
	v12 =	vld [tilespmem:s31+$0xFFFFFFE0];
	v8 =	vmin.u32 v8, v4  }
0x1a5: {  	v22 =	vsel vm14, v14, v1;
	v14 =	vmul.f32 $5.120000000e+02, v17;
	v17 =	vld [tilespmem:s31+$0xFFFFFFF0];
	v15 =	vmin.u32 v15, v4  }
0x1a6: {  	v9 =	vmin.u32 v9, v4;
	v24 =	vmin.u32 v11, v4;
	v11 =	vadd.f32 v3, v18  }
0x1a7: {  	v10 =	vsel vm11, v10, v1;
	v18 =	vmul.f32 $5.120000000e+02, v20;
	v14 =	vadd.f32 v3, v14  }
0x1a8: {  	vm15 =	vgt.s32 v16, v1;
	v10 =	vmin.u32 v10, v4;
	v11 =	vtrunc.f32 v11  }
0x1a9: {  	v20 =	vtrunc.f32 v14;
	v14 =	vadd.f32 v3, v18;
	v18 =	vmul.f32 $5.120000000e+02, v23;
	[tilespmem:v8+s18+$0x0] =	vst.idx.add.s32.msk $0xffff, v5  }
0x1aa: {  	v13 =	vsel vm5, v13, v1;
	v12 =	vmul.f32 $5.120000000e+02, v12;
	v17 =	vmul.f32 $5.120000000e+02, v17;
	[tilespmem:v15+s18+$0x0] =	vst.idx.add.s32.msk $0xffff, v5  }
0x1ab: {  	v8 =	vsel vm15, v16, v1;
	v15 =	vadd.f32 v3, v18;
	v16 =	vtrunc.f32 v19;
	[tilespmem:v9+s18+$0x0] =	vst.idx.add.s32.msk $0xffff, v5  }
0x1ac: {  	v9 =	vmin.u32 v13, v4;
	v63 =	vadd.f32 v3, v12;
	v12 =	vmin.u32 v8, v4  }
0x1ad: {  	v13 =	vcvt.f32.s32 v20;
	v25 =	vadd.f32 v3, v17;
	v17 =	vtrunc.f32 v14  }
0x1ae: {  	[tilespmem:v10+s18+$0x0] =	vst.idx.add.s32.msk $0xffff, v5;
	v8 =	vmin.u32 v21, v4;
	v10 =	vtrunc.f32 v15;
	v18 =	vtrunc.f32 v63  }
0x1af: {  	s28 =	simm.s32 $0xC570;
	s26 =	simm.s32 $0x8;
	[tilespmem:v24+s18+$0x0] =	vst.idx.add.s32.msk $0xffff, v5;
	v15 =	vtrunc.f32 v25;
	v14 =	vcvt.f32.s32 v10;
	v10 =	vmin.u32 v22, v4  }
.LBB2_13:
0x1b0: {  	v19 =	vld [tilespmem:s28+$0x0];
	v11 =	vcvt.f32.s32 v11;
	v16 =	vcvt.f32.s32 v16  }
0x1b1: {  	s26 =	sadd.s32 $0x8, s26;
	v17 =	vcvt.f32.s32 v17;
	v18 =	vcvt.f32.s32 v18;
	vm0 =	vgt.s32 v14, v1;
	[tilespmem:v12+s18+$0x0] =	vst.idx.add.s32.msk $0xffff, v5  }
0x1b2: {  	v15 =	vcvt.f32.s32 v15;
	p0 =	slt.u32 s26, $0x308;
	vm1 =	vgt.s32 v13, v1;
	v12 =	vld [tilespmem:s28+$0xFFFFFFA0];
	vm2 =	vgt.s32 v11, v1  }
0x1b3: {  	vm3 =	vgt.s32 v16, v1;
	vm4 =	vgt.s32 v17, v1;
	vm5 =	vgt.s32 v18, v1;
	v20 =	vld [tilespmem:s28+$0xFFFFFFB0]  }
0x1b4: {  	v14 =	vsel vm0, v14, v1;
	v13 =	vsel vm1, v13, v1;
	vm0 =	vgt.s32 v15, v1;
	v21 =	vld [tilespmem:s28+$0xFFFFFFC0]  }
0x1b5: {  	v11 =	vsel vm2, v11, v1;
	v16 =	vsel vm3, v16, v1;
	v23 =	vsel vm4, v17, v1;
	v22 =	vld [tilespmem:s28+$0xFFFFFFD0]  }
0x1b6: {  	v24 =	vsel vm5, v18, v1;
	v25 =	vsel vm0, v15, v1;
	v19 =	vmul.f32 $5.120000000e+02, v19;
	v17 =	vld [tilespmem:s28+$0xFFFFFFE0]  }
0x1b7: {  	v14 =	vmin.u32 v14, v4;
	v13 =	vmin.u32 v13, v4;
	v12 =	vmul.f32 $5.120000000e+02, v12;
	v15 =	vld [tilespmem:s28+$0xFFFFFFF0]  }
0x1b8: {  	v26 =	vmin.u32 v11, v4;
	v19 =	vadd.f32 v3, v19;
	v18 =	vld [tilespmem:s28+$0xFFFFFF90];
	v20 =	vmul.f32 $5.120000000e+02, v20  }
0x1b9: {  	v11 =	vadd.f32 v3, v12;
	v12 =	vmul.f32 $5.120000000e+02, v21;
	v21 =	vmin.u32 v16, v4;
	[tilespmem:v8+s18+$0x0] =	vst.idx.add.s32.msk $0xffff, v5  }
0x1ba: {  	v19 =	vtrunc.f32 v19;
	v8 =	vadd.f32 v3, v20;
	v16 =	vmul.f32 $5.120000000e+02, v22;
	[tilespmem:v9+s18+$0x0] =	vst.idx.add.s32.msk $0xffff, v5  }
0x1bb: {  	v9 =	vadd.f32 v3, v12;
	v12 =	vmul.f32 $5.120000000e+02, v17;
	v17 =	vcvt.f32.s32 v19;
	[tilespmem:v10+s18+$0x0] =	vst.idx.add.s32.msk $0xffff, v5  }
0x1bc: {  	v10 =	vtrunc.f32 v11;
	v19 =	vadd.f32 v3, v16;
	v15 =	vmul.f32 $5.120000000e+02, v15;
	[tilespmem:v14+s18+$0x0] =	vst.idx.add.s32.msk $0xffff, v5  }
0x1bd: {  	v14 =	vmul.f32 $5.120000000e+02, v18;
	v18 =	vadd.f32 v3, v12;
	vm0 =	vgt.s32 v17, v1;
	[tilespmem:v13+s18+$0x0] =	vst.idx.add.s32.msk $0xffff, v5  }
.Ltmp7:
0x1be: {  	v11 =	vtrunc.f32 v8;
	v13 =	vadd.f32 v3, v15;
	v8 =	vsel vm0, v17, v1;
	[tilespmem:v26+s18+$0x0] =	vst.idx.add.s32.msk $0xffff, v5;
	(pc) =	sbr.rel @p0 .LBB2_13-.Ltmp7, $4  }
0x1bf: {  	v16 =	vtrunc.f32 v9;
	v14 =	vadd.f32 v3, v14;
	v12 =	vmin.u32 v8, v4;
	[tilespmem:v21+s18+$0x0] =	vst.idx.add.s32.msk $0xffff, v5  }
0x1c0: {  	v17 =	vtrunc.f32 v19;
	v18 =	vtrunc.f32 v18;
	v8 =	vmin.u32 v23, v4  }
0x1c1: {  	v9 =	vmin.u32 v24, v4;
	v15 =	vtrunc.f32 v13;
	v14 =	vtrunc.f32 v14  }
0x1c2: {  	s28 =	sadd.s32 $0x80, s28;
	v13 =	vcvt.f32.s32 v10;
	v10 =	vmin.u32 v25, v4;
	v14 =	vcvt.f32.s32 v14  }
0x1c3: {  	_ =	sdelay $0x3  }
0x1c4: {  	[tilespmem:v12+s18+$0x0] =	vst.idx.add.s32.msk $0xffff, v5  }
0x1c5: {  	v11 =	vcvt.f32.s32 v11;
	v16 =	vcvt.f32.s32 v16;
	[tilespmem:v8+s18+$0x0] =	vst.idx.add.s32.msk $0xffff, v5  }
0x1c6: {  	v17 =	vcvt.f32.s32 v17;
	v18 =	vcvt.f32.s32 v18;
	[tilespmem:v9+s18+$0x0] =	vst.idx.add.s32.msk $0xffff, v5;
	vm0 =	vgt.s32 v14, v1  }
0x1c7: {  	v12 =	vcvt.f32.s32 v15;
	[tilespmem:v10+s18+$0x0] =	vst.idx.add.s32.msk $0xffff, v5;
	vm1 =	vgt.s32 v13, v1;
	v14 =	vsel vm0, v14, v1  }
0x1c8: {  	vm2 =	vgt.s32 v11, v1;
	v13 =	vsel vm1, v13, v1;
	v14 =	vmin.u32 v14, v4  }
0x1c9: {  	vm3 =	vgt.s32 v16, v1;
	v11 =	vsel vm2, v11, v1;
	v13 =	vmin.u32 v13, v4  }
0x1ca: {  	vm4 =	vgt.s32 v17, v1;
	v15 =	vsel vm3, v16, v1;
	v11 =	vmin.u32 v11, v4  }
0x1cb: {  	vm6 =	vgt.s32 v18, v1;
	v8 =	vsel vm4, v17, v1;
	v15 =	vmin.u32 v15, v4  }
0x1cc: {  	vm7 =	vgt.s32 v12, v1;
	v9 =	vsel vm6, v18, v1;
	v8 =	vmin.u32 v8, v4  }
0x1cd: {  	v10 =	vsel vm7, v12, v1;
	v9 =	vmin.u32 v9, v4;
	[tilespmem:v14+s18+$0x0] =	vst.idx.add.s32.msk $0xffff, v5  }
0x1ce: {  	v10 =	vmin.u32 v10, v4;
	[tilespmem:v13+s18+$0x0] =	vst.idx.add.s32.msk $0xffff, v5  }
0x1cf: {  	[tilespmem:v11+s18+$0x0] =	vst.idx.add.s32.msk $0xffff, v5  }
0x1d0: {  	[tilespmem:v15+s18+$0x0] =	vst.idx.add.s32.msk $0xffff, v5  }
0x1d1: {  	[tilespmem:v8+s18+$0x0] =	vst.idx.add.s32.msk $0xffff, v5  }
0x1d2: {  	[tilespmem:v9+s18+$0x0] =	vst.idx.add.s32.msk $0xffff, v5  }
0x1d3: {  	[tilespmem:v10+s18+$0x0] =	vst.idx.add.s32.msk $0xffff, v5  }
0x1d4: {  	_ =	swait.ge [sflag:s17], $0x3100  }
0x1d5: {  	[sflag:s17] =	ssyncset.done $0x0  }
0x1d6: {  	s26 =	simm.s32 $0xF570;
	[sflag:s17] =	ssyncadd.s32 $0xFFFFCF00  }
0x1d7: {  	v8 =	vld [tilespmem:s26+$0x0]  }
0x1d8: {  	v9 =	vld [tilespmem:s26+$0xFFFFFFA0]  }
0x1d9: {  	v10 =	vld [tilespmem:s26+$0xFFFFFFB0]  }
0x1da: {  	v11 =	vld [tilespmem:s26+$0xFFFFFFC0]  }
0x1db: {  	v12 =	vld [tilespmem:s26+$0xFFFFFFD0]  }
0x1dc: {  	v13 =	vld [tilespmem:s26+$0xFFFFFFE0]  }
0x1dd: {  	v14 =	vld [tilespmem:s26+$0xFFFFFFF0]  }
0x1de: {  	s31 =	simm.s32 $0xF5F0;
	v15 =	vld [tilespmem:s26+$0xFFFFFF90]  }
0x1df: {  	v16 =	vld [tilespmem:s31+$0x0]  }
0x1e0: {  	v18 =	vld [tilespmem:s31+$0xFFFFFFB0];
	v8 =	vmul.f32 $5.120000000e+02, v8  }
0x1e1: {  	v19 =	vld [tilespmem:s31+$0xFFFFFFC0];
	v9 =	vmul.f32 $5.120000000e+02, v9;
	v10 =	vmul.f32 $5.120000000e+02, v10  }
0x1e2: {  	v11 =	vmul.f32 $5.120000000e+02, v11;
	v12 =	vmul.f32 $5.120000000e+02, v12  }
0x1e3: {  	v13 =	vmul.f32 $5.120000000e+02, v13;
	v14 =	vmul.f32 $5.120000000e+02, v14  }
0x1e4: {  	v15 =	vmul.f32 $5.120000000e+02, v15;
	v16 =	vmul.f32 $5.120000000e+02, v16;
	v8 =	vadd.f32 v3, v8  }
0x1e5: {  	v18 =	vmul.f32 $5.120000000e+02, v18;
	v9 =	vadd.f32 v3, v9;
	v10 =	vadd.f32 v3, v10  }
0x1e6: {  	v19 =	vmul.f32 $5.120000000e+02, v19;
	v11 =	vadd.f32 v3, v11;
	v12 =	vadd.f32 v3, v12  }
0x1e7: {  	v13 =	vadd.f32 v3, v13;
	v14 =	vadd.f32 v3, v14;
	v8 =	vtrunc.f32 v8  }
0x1e8: {  	v15 =	vadd.f32 v3, v15;
	v9 =	vtrunc.f32 v9;
	v10 =	vtrunc.f32 v10  }
0x1e9: {  	v16 =	vadd.f32 v3, v16;
	v11 =	vtrunc.f32 v11;
	v12 =	vtrunc.f32 v12  }
0x1ea: {  	v13 =	vtrunc.f32 v13;
	v15 =	vtrunc.f32 v15  }
0x1eb: {  	v14 =	vtrunc.f32 v14;
	v16 =	vtrunc.f32 v16  }
0x1ec: {  	v8 =	vcvt.f32.s32 v8;
	v15 =	vcvt.f32.s32 v15  }
0x1ed: {  	v9 =	vcvt.f32.s32 v9;
	v10 =	vcvt.f32.s32 v10  }
0x1ee: {  	v11 =	vcvt.f32.s32 v11;
	v12 =	vcvt.f32.s32 v12  }
0x1ef: {  	v19 =	vadd.f32 v3, v19;
	v13 =	vcvt.f32.s32 v13;
	v14 =	vcvt.f32.s32 v14  }
0x1f0: {  	v17 =	vld [tilespmem:s31+$0xFFFFFFA0];
	v16 =	vcvt.f32.s32 v16;
	vm8 =	vgt.s32 v8, v1;
	vm9 =	vgt.s32 v15, v1  }
0x1f1: {  	vm10 =	vgt.s32 v9, v1;
	vm11 =	vgt.s32 v10, v1;
	vm12 =	vgt.s32 v11, v1  }
0x1f2: {  	v20 =	vld [tilespmem:s31+$0xFFFFFFD0];
	vm13 =	vgt.s32 v12, v1;
	vm5 =	vgt.s32 v13, v1;
	vm14 =	vgt.s32 v14, v1  }
0x1f3: {  	v23 =	vld [tilespmem:s31+$0xFFFFFF90];
	v8 =	vsel vm8, v8, v1;
	v15 =	vsel vm9, v15, v1;
	v9 =	vsel vm10, v9, v1  }
0x1f4: {  	v11 =	vsel vm12, v11, v1;
	v21 =	vsel vm13, v12, v1;
	v12 =	vld [tilespmem:s31+$0xFFFFFFE0];
	v8 =	vmin.u32 v8, v4  }
0x1f5: {  	v22 =	vsel vm14, v14, v1;
	v14 =	vmul.f32 $5.120000000e+02, v17;
	v17 =	vld [tilespmem:s31+$0xFFFFFFF0];
	v15 =	vmin.u32 v15, v4  }
0x1f6: {  	v9 =	vmin.u32 v9, v4;
	v24 =	vmin.u32 v11, v4;
	v11 =	vadd.f32 v3, v18  }
0x1f7: {  	v10 =	vsel vm11, v10, v1;
	v18 =	vmul.f32 $5.120000000e+02, v20;
	v14 =	vadd.f32 v3, v14  }
0x1f8: {  	vm15 =	vgt.s32 v16, v1;
	v10 =	vmin.u32 v10, v4;
	v11 =	vtrunc.f32 v11  }
0x1f9: {  	v20 =	vtrunc.f32 v14;
	v14 =	vadd.f32 v3, v18;
	v18 =	vmul.f32 $5.120000000e+02, v23;
	[tilespmem:v8+s18+$0x0] =	vst.idx.add.s32.msk $0xffff, v5  }
0x1fa: {  	v13 =	vsel vm5, v13, v1;
	v12 =	vmul.f32 $5.120000000e+02, v12;
	v17 =	vmul.f32 $5.120000000e+02, v17;
	[tilespmem:v15+s18+$0x0] =	vst.idx.add.s32.msk $0xffff, v5  }
0x1fb: {  	v8 =	vsel vm15, v16, v1;
	v15 =	vadd.f32 v3, v18;
	v16 =	vtrunc.f32 v19;
	[tilespmem:v9+s18+$0x0] =	vst.idx.add.s32.msk $0xffff, v5  }
0x1fc: {  	v9 =	vmin.u32 v13, v4;
	v63 =	vadd.f32 v3, v12;
	v12 =	vmin.u32 v8, v4  }
0x1fd: {  	v13 =	vcvt.f32.s32 v20;
	v25 =	vadd.f32 v3, v17;
	v17 =	vtrunc.f32 v14  }
0x1fe: {  	[tilespmem:v10+s18+$0x0] =	vst.idx.add.s32.msk $0xffff, v5;
	v8 =	vmin.u32 v21, v4;
	v10 =	vtrunc.f32 v15;
	v18 =	vtrunc.f32 v63  }
0x1ff: {  	s28 =	simm.s32 $0xF670;
	s26 =	simm.s32 $0x8;
	[tilespmem:v24+s18+$0x0] =	vst.idx.add.s32.msk $0xffff, v5;
	v15 =	vtrunc.f32 v25;
	v14 =	vcvt.f32.s32 v10;
	v10 =	vmin.u32 v22, v4  }
.LBB2_15:
0x200: {  	v19 =	vld [tilespmem:s28+$0x0];
	v11 =	vcvt.f32.s32 v11;
	v16 =	vcvt.f32.s32 v16  }
0x201: {  	s26 =	sadd.s32 $0x8, s26;
	v17 =	vcvt.f32.s32 v17;
	v18 =	vcvt.f32.s32 v18;
	vm0 =	vgt.s32 v14, v1;
	[tilespmem:v12+s18+$0x0] =	vst.idx.add.s32.msk $0xffff, v5  }
0x202: {  	v15 =	vcvt.f32.s32 v15;
	p0 =	slt.u32 s26, $0x308;
	vm1 =	vgt.s32 v13, v1;
	v12 =	vld [tilespmem:s28+$0xFFFFFFA0];
	vm2 =	vgt.s32 v11, v1  }
0x203: {  	vm3 =	vgt.s32 v16, v1;
	vm4 =	vgt.s32 v17, v1;
	vm5 =	vgt.s32 v18, v1;
	v20 =	vld [tilespmem:s28+$0xFFFFFFB0]  }
0x204: {  	v14 =	vsel vm0, v14, v1;
	v13 =	vsel vm1, v13, v1;
	vm0 =	vgt.s32 v15, v1;
	v21 =	vld [tilespmem:s28+$0xFFFFFFC0]  }
0x205: {  	v11 =	vsel vm2, v11, v1;
	v16 =	vsel vm3, v16, v1;
	v23 =	vsel vm4, v17, v1;
	v22 =	vld [tilespmem:s28+$0xFFFFFFD0]  }
0x206: {  	v24 =	vsel vm5, v18, v1;
	v25 =	vsel vm0, v15, v1;
	v19 =	vmul.f32 $5.120000000e+02, v19;
	v17 =	vld [tilespmem:s28+$0xFFFFFFE0]  }
0x207: {  	v14 =	vmin.u32 v14, v4;
	v13 =	vmin.u32 v13, v4;
	v12 =	vmul.f32 $5.120000000e+02, v12;
	v15 =	vld [tilespmem:s28+$0xFFFFFFF0]  }
0x208: {  	v26 =	vmin.u32 v11, v4;
	v19 =	vadd.f32 v3, v19;
	v18 =	vld [tilespmem:s28+$0xFFFFFF90];
	v20 =	vmul.f32 $5.120000000e+02, v20  }
0x209: {  	v11 =	vadd.f32 v3, v12;
	v12 =	vmul.f32 $5.120000000e+02, v21;
	v21 =	vmin.u32 v16, v4;
	[tilespmem:v8+s18+$0x0] =	vst.idx.add.s32.msk $0xffff, v5  }
0x20a: {  	v19 =	vtrunc.f32 v19;
	v8 =	vadd.f32 v3, v20;
	v16 =	vmul.f32 $5.120000000e+02, v22;
	[tilespmem:v9+s18+$0x0] =	vst.idx.add.s32.msk $0xffff, v5  }
0x20b: {  	v9 =	vadd.f32 v3, v12;
	v12 =	vmul.f32 $5.120000000e+02, v17;
	v17 =	vcvt.f32.s32 v19;
	[tilespmem:v10+s18+$0x0] =	vst.idx.add.s32.msk $0xffff, v5  }
0x20c: {  	v10 =	vtrunc.f32 v11;
	v19 =	vadd.f32 v3, v16;
	v15 =	vmul.f32 $5.120000000e+02, v15;
	[tilespmem:v14+s18+$0x0] =	vst.idx.add.s32.msk $0xffff, v5  }
0x20d: {  	v14 =	vmul.f32 $5.120000000e+02, v18;
	v18 =	vadd.f32 v3, v12;
	vm0 =	vgt.s32 v17, v1;
	[tilespmem:v13+s18+$0x0] =	vst.idx.add.s32.msk $0xffff, v5  }
.Ltmp8:
0x20e: {  	v11 =	vtrunc.f32 v8;
	v13 =	vadd.f32 v3, v15;
	v8 =	vsel vm0, v17, v1;
	[tilespmem:v26+s18+$0x0] =	vst.idx.add.s32.msk $0xffff, v5;
	(pc) =	sbr.rel @p0 .LBB2_15-.Ltmp8, $4  }
0x20f: {  	v16 =	vtrunc.f32 v9;
	v14 =	vadd.f32 v3, v14;
	v12 =	vmin.u32 v8, v4;
	[tilespmem:v21+s18+$0x0] =	vst.idx.add.s32.msk $0xffff, v5  }
0x210: {  	v17 =	vtrunc.f32 v19;
	v18 =	vtrunc.f32 v18;
	v8 =	vmin.u32 v23, v4  }
0x211: {  	v9 =	vmin.u32 v24, v4;
	v15 =	vtrunc.f32 v13;
	v14 =	vtrunc.f32 v14  }
0x212: {  	s28 =	sadd.s32 $0x80, s28;
	v13 =	vcvt.f32.s32 v10;
	v10 =	vmin.u32 v25, v4;
	v14 =	vcvt.f32.s32 v14  }
0x213: {  	_ =	sdelay $0x3  }
0x214: {  	[tilespmem:v12+s18+$0x0] =	vst.idx.add.s32.msk $0xffff, v5  }
0x215: {  	v11 =	vcvt.f32.s32 v11;
	v16 =	vcvt.f32.s32 v16;
	[tilespmem:v8+s18+$0x0] =	vst.idx.add.s32.msk $0xffff, v5  }
0x216: {  	v17 =	vcvt.f32.s32 v17;
	v18 =	vcvt.f32.s32 v18;
	[tilespmem:v9+s18+$0x0] =	vst.idx.add.s32.msk $0xffff, v5;
	vm0 =	vgt.s32 v14, v1  }
0x217: {  	v12 =	vcvt.f32.s32 v15;
	[tilespmem:v10+s18+$0x0] =	vst.idx.add.s32.msk $0xffff, v5;
	vm1 =	vgt.s32 v13, v1;
	v14 =	vsel vm0, v14, v1  }
0x218: {  	vm2 =	vgt.s32 v11, v1;
	v13 =	vsel vm1, v13, v1;
	v14 =	vmin.u32 v14, v4  }
0x219: {  	vm3 =	vgt.s32 v16, v1;
	v11 =	vsel vm2, v11, v1;
	v13 =	vmin.u32 v13, v4  }
0x21a: {  	vm4 =	vgt.s32 v17, v1;
	v15 =	vsel vm3, v16, v1;
	v11 =	vmin.u32 v11, v4  }
0x21b: {  	vm6 =	vgt.s32 v18, v1;
	v8 =	vsel vm4, v17, v1;
	v15 =	vmin.u32 v15, v4  }
0x21c: {  	vm7 =	vgt.s32 v12, v1;
	v9 =	vsel vm6, v18, v1;
	v8 =	vmin.u32 v8, v4  }
0x21d: {  	v10 =	vsel vm7, v12, v1;
	v9 =	vmin.u32 v9, v4;
	[tilespmem:v14+s18+$0x0] =	vst.idx.add.s32.msk $0xffff, v5  }
0x21e: {  	v10 =	vmin.u32 v10, v4;
	[tilespmem:v13+s18+$0x0] =	vst.idx.add.s32.msk $0xffff, v5  }
0x21f: {  	[tilespmem:v11+s18+$0x0] =	vst.idx.add.s32.msk $0xffff, v5  }
0x220: {  	[tilespmem:v15+s18+$0x0] =	vst.idx.add.s32.msk $0xffff, v5  }
0x221: {  	[tilespmem:v8+s18+$0x0] =	vst.idx.add.s32.msk $0xffff, v5  }
0x222: {  	[tilespmem:v9+s18+$0x0] =	vst.idx.add.s32.msk $0xffff, v5  }
0x223: {  	[tilespmem:v10+s18+$0x0] =	vst.idx.add.s32.msk $0xffff, v5  }
0x224: {  	_ =	swait.ge [sflag:s17], $0x3100  }
0x225: {  	[sflag:s17] =	ssyncset.done $0x0  }
0x226: {  	s26 =	simm.s32 $0x12670;
	[sflag:s17] =	ssyncadd.s32 $0xFFFFCF00  }
0x227: {  	v8 =	vld [tilespmem:s26+$0x0]  }
0x228: {  	v9 =	vld [tilespmem:s26+$0xFFFFFFA0]  }
0x229: {  	v10 =	vld [tilespmem:s26+$0xFFFFFFB0]  }
0x22a: {  	v11 =	vld [tilespmem:s26+$0xFFFFFFC0]  }
0x22b: {  	v12 =	vld [tilespmem:s26+$0xFFFFFFD0]  }
0x22c: {  	v13 =	vld [tilespmem:s26+$0xFFFFFFE0]  }
0x22d: {  	v14 =	vld [tilespmem:s26+$0xFFFFFFF0]  }
0x22e: {  	s31 =	simm.s32 $0x126F0;
	v15 =	vld [tilespmem:s26+$0xFFFFFF90]  }
0x22f: {  	v16 =	vld [tilespmem:s31+$0x0]  }
0x230: {  	v18 =	vld [tilespmem:s31+$0xFFFFFFB0];
	v8 =	vmul.f32 $5.120000000e+02, v8  }
0x231: {  	v19 =	vld [tilespmem:s31+$0xFFFFFFC0];
	v9 =	vmul.f32 $5.120000000e+02, v9;
	v10 =	vmul.f32 $5.120000000e+02, v10  }
0x232: {  	v11 =	vmul.f32 $5.120000000e+02, v11;
	v12 =	vmul.f32 $5.120000000e+02, v12  }
0x233: {  	v13 =	vmul.f32 $5.120000000e+02, v13;
	v14 =	vmul.f32 $5.120000000e+02, v14  }
0x234: {  	v15 =	vmul.f32 $5.120000000e+02, v15;
	v16 =	vmul.f32 $5.120000000e+02, v16;
	v8 =	vadd.f32 v3, v8  }
0x235: {  	v18 =	vmul.f32 $5.120000000e+02, v18;
	v9 =	vadd.f32 v3, v9;
	v10 =	vadd.f32 v3, v10  }
0x236: {  	v19 =	vmul.f32 $5.120000000e+02, v19;
	v11 =	vadd.f32 v3, v11;
	v12 =	vadd.f32 v3, v12  }
0x237: {  	v13 =	vadd.f32 v3, v13;
	v14 =	vadd.f32 v3, v14;
	v8 =	vtrunc.f32 v8  }
0x238: {  	v15 =	vadd.f32 v3, v15;
	v9 =	vtrunc.f32 v9;
	v10 =	vtrunc.f32 v10  }
0x239: {  	v16 =	vadd.f32 v3, v16;
	v11 =	vtrunc.f32 v11;
	v12 =	vtrunc.f32 v12  }
0x23a: {  	v13 =	vtrunc.f32 v13;
	v15 =	vtrunc.f32 v15  }
0x23b: {  	v14 =	vtrunc.f32 v14;
	v16 =	vtrunc.f32 v16  }
0x23c: {  	v8 =	vcvt.f32.s32 v8;
	v15 =	vcvt.f32.s32 v15  }
0x23d: {  	v9 =	vcvt.f32.s32 v9;
	v10 =	vcvt.f32.s32 v10  }
0x23e: {  	v11 =	vcvt.f32.s32 v11;
	v12 =	vcvt.f32.s32 v12  }
0x23f: {  	v19 =	vadd.f32 v3, v19;
	v13 =	vcvt.f32.s32 v13;
	v14 =	vcvt.f32.s32 v14  }
0x240: {  	v17 =	vld [tilespmem:s31+$0xFFFFFFA0];
	v16 =	vcvt.f32.s32 v16;
	vm8 =	vgt.s32 v8, v1;
	vm9 =	vgt.s32 v15, v1  }
0x241: {  	vm10 =	vgt.s32 v9, v1;
	vm11 =	vgt.s32 v10, v1;
	vm12 =	vgt.s32 v11, v1  }
0x242: {  	v20 =	vld [tilespmem:s31+$0xFFFFFFD0];
	vm13 =	vgt.s32 v12, v1;
	vm5 =	vgt.s32 v13, v1;
	vm14 =	vgt.s32 v14, v1  }
0x243: {  	v23 =	vld [tilespmem:s31+$0xFFFFFF90];
	v8 =	vsel vm8, v8, v1;
	v15 =	vsel vm9, v15, v1;
	v9 =	vsel vm10, v9, v1  }
0x244: {  	v11 =	vsel vm12, v11, v1;
	v21 =	vsel vm13, v12, v1;
	v12 =	vld [tilespmem:s31+$0xFFFFFFE0];
	v8 =	vmin.u32 v8, v4  }
0x245: {  	v22 =	vsel vm14, v14, v1;
	v14 =	vmul.f32 $5.120000000e+02, v17;
	v17 =	vld [tilespmem:s31+$0xFFFFFFF0];
	v15 =	vmin.u32 v15, v4  }
0x246: {  	v9 =	vmin.u32 v9, v4;
	v24 =	vmin.u32 v11, v4;
	v11 =	vadd.f32 v3, v18  }
0x247: {  	v10 =	vsel vm11, v10, v1;
	v18 =	vmul.f32 $5.120000000e+02, v20;
	v14 =	vadd.f32 v3, v14  }
0x248: {  	vm15 =	vgt.s32 v16, v1;
	v10 =	vmin.u32 v10, v4;
	v11 =	vtrunc.f32 v11  }
0x249: {  	v20 =	vtrunc.f32 v14;
	v14 =	vadd.f32 v3, v18;
	v18 =	vmul.f32 $5.120000000e+02, v23;
	[tilespmem:v8+s18+$0x0] =	vst.idx.add.s32.msk $0xffff, v5  }
0x24a: {  	v13 =	vsel vm5, v13, v1;
	v12 =	vmul.f32 $5.120000000e+02, v12;
	v17 =	vmul.f32 $5.120000000e+02, v17;
	[tilespmem:v15+s18+$0x0] =	vst.idx.add.s32.msk $0xffff, v5  }
0x24b: {  	v8 =	vsel vm15, v16, v1;
	v15 =	vadd.f32 v3, v18;
	v16 =	vtrunc.f32 v19;
	[tilespmem:v9+s18+$0x0] =	vst.idx.add.s32.msk $0xffff, v5  }
0x24c: {  	v9 =	vmin.u32 v13, v4;
	v63 =	vadd.f32 v3, v12;
	v12 =	vmin.u32 v8, v4  }
0x24d: {  	v13 =	vcvt.f32.s32 v20;
	v25 =	vadd.f32 v3, v17;
	v17 =	vtrunc.f32 v14  }
0x24e: {  	[tilespmem:v10+s18+$0x0] =	vst.idx.add.s32.msk $0xffff, v5;
	v8 =	vmin.u32 v21, v4;
	v10 =	vtrunc.f32 v15;
	v18 =	vtrunc.f32 v63  }
0x24f: {  	s28 =	simm.s32 $0x12770;
	s26 =	simm.s32 $0x8;
	[tilespmem:v24+s18+$0x0] =	vst.idx.add.s32.msk $0xffff, v5;
	v15 =	vtrunc.f32 v25;
	v14 =	vcvt.f32.s32 v10;
	v10 =	vmin.u32 v22, v4  }
.LBB2_17:
0x250: {  	v19 =	vld [tilespmem:s28+$0x0];
	v11 =	vcvt.f32.s32 v11;
	v16 =	vcvt.f32.s32 v16  }
0x251: {  	s26 =	sadd.s32 $0x8, s26;
	v17 =	vcvt.f32.s32 v17;
	v18 =	vcvt.f32.s32 v18;
	vm0 =	vgt.s32 v14, v1;
	[tilespmem:v12+s18+$0x0] =	vst.idx.add.s32.msk $0xffff, v5  }
0x252: {  	v15 =	vcvt.f32.s32 v15;
	p0 =	slt.u32 s26, $0x308;
	vm1 =	vgt.s32 v13, v1;
	v12 =	vld [tilespmem:s28+$0xFFFFFFA0];
	vm2 =	vgt.s32 v11, v1  }
0x253: {  	vm3 =	vgt.s32 v16, v1;
	vm4 =	vgt.s32 v17, v1;
	vm5 =	vgt.s32 v18, v1;
	v20 =	vld [tilespmem:s28+$0xFFFFFFB0]  }
0x254: {  	v14 =	vsel vm0, v14, v1;
	v13 =	vsel vm1, v13, v1;
	vm0 =	vgt.s32 v15, v1;
	v21 =	vld [tilespmem:s28+$0xFFFFFFC0]  }
0x255: {  	v11 =	vsel vm2, v11, v1;
	v16 =	vsel vm3, v16, v1;
	v23 =	vsel vm4, v17, v1;
	v22 =	vld [tilespmem:s28+$0xFFFFFFD0]  }
0x256: {  	v24 =	vsel vm5, v18, v1;
	v25 =	vsel vm0, v15, v1;
	v19 =	vmul.f32 $5.120000000e+02, v19;
	v17 =	vld [tilespmem:s28+$0xFFFFFFE0]  }
0x257: {  	v14 =	vmin.u32 v14, v4;
	v13 =	vmin.u32 v13, v4;
	v12 =	vmul.f32 $5.120000000e+02, v12;
	v15 =	vld [tilespmem:s28+$0xFFFFFFF0]  }
0x258: {  	v26 =	vmin.u32 v11, v4;
	v19 =	vadd.f32 v3, v19;
	v18 =	vld [tilespmem:s28+$0xFFFFFF90];
	v20 =	vmul.f32 $5.120000000e+02, v20  }
0x259: {  	v11 =	vadd.f32 v3, v12;
	v12 =	vmul.f32 $5.120000000e+02, v21;
	v21 =	vmin.u32 v16, v4;
	[tilespmem:v8+s18+$0x0] =	vst.idx.add.s32.msk $0xffff, v5  }
0x25a: {  	v19 =	vtrunc.f32 v19;
	v8 =	vadd.f32 v3, v20;
	v16 =	vmul.f32 $5.120000000e+02, v22;
	[tilespmem:v9+s18+$0x0] =	vst.idx.add.s32.msk $0xffff, v5  }
0x25b: {  	v9 =	vadd.f32 v3, v12;
	v12 =	vmul.f32 $5.120000000e+02, v17;
	v17 =	vcvt.f32.s32 v19;
	[tilespmem:v10+s18+$0x0] =	vst.idx.add.s32.msk $0xffff, v5  }
0x25c: {  	v10 =	vtrunc.f32 v11;
	v19 =	vadd.f32 v3, v16;
	v15 =	vmul.f32 $5.120000000e+02, v15;
	[tilespmem:v14+s18+$0x0] =	vst.idx.add.s32.msk $0xffff, v5  }
0x25d: {  	v14 =	vmul.f32 $5.120000000e+02, v18;
	v18 =	vadd.f32 v3, v12;
	vm0 =	vgt.s32 v17, v1;
	[tilespmem:v13+s18+$0x0] =	vst.idx.add.s32.msk $0xffff, v5  }
.Ltmp9:
0x25e: {  	v11 =	vtrunc.f32 v8;
	v13 =	vadd.f32 v3, v15;
	v8 =	vsel vm0, v17, v1;
	[tilespmem:v26+s18+$0x0] =	vst.idx.add.s32.msk $0xffff, v5;
	(pc) =	sbr.rel @p0 .LBB2_17-.Ltmp9, $4  }
0x25f: {  	v16 =	vtrunc.f32 v9;
	v14 =	vadd.f32 v3, v14;
	v12 =	vmin.u32 v8, v4;
	[tilespmem:v21+s18+$0x0] =	vst.idx.add.s32.msk $0xffff, v5  }
0x260: {  	v17 =	vtrunc.f32 v19;
	v18 =	vtrunc.f32 v18;
	v8 =	vmin.u32 v23, v4  }
0x261: {  	v9 =	vmin.u32 v24, v4;
	v15 =	vtrunc.f32 v13;
	v14 =	vtrunc.f32 v14  }
0x262: {  	s28 =	sadd.s32 $0x80, s28;
	v13 =	vcvt.f32.s32 v10;
	v10 =	vmin.u32 v25, v4;
	v14 =	vcvt.f32.s32 v14  }
0x263: {  	_ =	sdelay $0x3  }
0x264: {  	[tilespmem:v12+s18+$0x0] =	vst.idx.add.s32.msk $0xffff, v5  }
0x265: {  	v11 =	vcvt.f32.s32 v11;
	v16 =	vcvt.f32.s32 v16;
	[tilespmem:v8+s18+$0x0] =	vst.idx.add.s32.msk $0xffff, v5  }
0x266: {  	v17 =	vcvt.f32.s32 v17;
	v18 =	vcvt.f32.s32 v18;
	[tilespmem:v9+s18+$0x0] =	vst.idx.add.s32.msk $0xffff, v5;
	vm0 =	vgt.s32 v14, v1  }
0x267: {  	v12 =	vcvt.f32.s32 v15;
	[tilespmem:v10+s18+$0x0] =	vst.idx.add.s32.msk $0xffff, v5;
	vm1 =	vgt.s32 v13, v1;
	v14 =	vsel vm0, v14, v1  }
0x268: {  	vm2 =	vgt.s32 v11, v1;
	v13 =	vsel vm1, v13, v1;
	v14 =	vmin.u32 v14, v4  }
0x269: {  	vm3 =	vgt.s32 v16, v1;
	v11 =	vsel vm2, v11, v1;
	v13 =	vmin.u32 v13, v4  }
0x26a: {  	vm4 =	vgt.s32 v17, v1;
	v15 =	vsel vm3, v16, v1;
	v11 =	vmin.u32 v11, v4  }
0x26b: {  	vm6 =	vgt.s32 v18, v1;
	v8 =	vsel vm4, v17, v1;
	v15 =	vmin.u32 v15, v4  }
0x26c: {  	vm7 =	vgt.s32 v12, v1;
	v9 =	vsel vm6, v18, v1;
	v8 =	vmin.u32 v8, v4  }
0x26d: {  	v10 =	vsel vm7, v12, v1;
	v9 =	vmin.u32 v9, v4;
	[tilespmem:v14+s18+$0x0] =	vst.idx.add.s32.msk $0xffff, v5  }
0x26e: {  	v10 =	vmin.u32 v10, v4;
	[tilespmem:v13+s18+$0x0] =	vst.idx.add.s32.msk $0xffff, v5  }
0x26f: {  	[tilespmem:v11+s18+$0x0] =	vst.idx.add.s32.msk $0xffff, v5  }
0x270: {  	[tilespmem:v15+s18+$0x0] =	vst.idx.add.s32.msk $0xffff, v5  }
0x271: {  	[tilespmem:v8+s18+$0x0] =	vst.idx.add.s32.msk $0xffff, v5  }
0x272: {  	[tilespmem:v9+s18+$0x0] =	vst.idx.add.s32.msk $0xffff, v5  }
0x273: {  	[tilespmem:v10+s18+$0x0] =	vst.idx.add.s32.msk $0xffff, v5  }
0x274: {  	_ =	swait.ge [sflag:s17], $0x3100  }
0x275: {  	[sflag:s17] =	ssyncset.done $0x0  }
0x276: {  	s26 =	simm.s32 $0x15770;
	[sflag:s17] =	ssyncadd.s32 $0xFFFFCF00  }
0x277: {  	v8 =	vld [tilespmem:s26+$0x0]  }
0x278: {  	v9 =	vld [tilespmem:s26+$0xFFFFFFA0]  }
0x279: {  	v10 =	vld [tilespmem:s26+$0xFFFFFFB0]  }
0x27a: {  	v11 =	vld [tilespmem:s26+$0xFFFFFFC0]  }
0x27b: {  	v12 =	vld [tilespmem:s26+$0xFFFFFFD0]  }
0x27c: {  	v13 =	vld [tilespmem:s26+$0xFFFFFFE0]  }
0x27d: {  	v14 =	vld [tilespmem:s26+$0xFFFFFFF0]  }
0x27e: {  	s31 =	simm.s32 $0x157F0;
	v15 =	vld [tilespmem:s26+$0xFFFFFF90]  }
0x27f: {  	v16 =	vld [tilespmem:s31+$0x0]  }
0x280: {  	v18 =	vld [tilespmem:s31+$0xFFFFFFB0];
	v8 =	vmul.f32 $5.120000000e+02, v8  }
0x281: {  	v19 =	vld [tilespmem:s31+$0xFFFFFFC0];
	v9 =	vmul.f32 $5.120000000e+02, v9;
	v10 =	vmul.f32 $5.120000000e+02, v10  }
0x282: {  	v11 =	vmul.f32 $5.120000000e+02, v11;
	v12 =	vmul.f32 $5.120000000e+02, v12  }
0x283: {  	v13 =	vmul.f32 $5.120000000e+02, v13;
	v14 =	vmul.f32 $5.120000000e+02, v14  }
0x284: {  	v15 =	vmul.f32 $5.120000000e+02, v15;
	v16 =	vmul.f32 $5.120000000e+02, v16;
	v8 =	vadd.f32 v3, v8  }
0x285: {  	v18 =	vmul.f32 $5.120000000e+02, v18;
	v9 =	vadd.f32 v3, v9;
	v10 =	vadd.f32 v3, v10  }
0x286: {  	v19 =	vmul.f32 $5.120000000e+02, v19;
	v11 =	vadd.f32 v3, v11;
	v12 =	vadd.f32 v3, v12  }
0x287: {  	v13 =	vadd.f32 v3, v13;
	v14 =	vadd.f32 v3, v14;
	v8 =	vtrunc.f32 v8  }
0x288: {  	v15 =	vadd.f32 v3, v15;
	v9 =	vtrunc.f32 v9;
	v10 =	vtrunc.f32 v10  }
0x289: {  	v16 =	vadd.f32 v3, v16;
	v11 =	vtrunc.f32 v11;
	v12 =	vtrunc.f32 v12  }
0x28a: {  	v13 =	vtrunc.f32 v13;
	v15 =	vtrunc.f32 v15  }
0x28b: {  	v14 =	vtrunc.f32 v14;
	v16 =	vtrunc.f32 v16  }
0x28c: {  	v8 =	vcvt.f32.s32 v8;
	v15 =	vcvt.f32.s32 v15  }
0x28d: {  	v9 =	vcvt.f32.s32 v9;
	v10 =	vcvt.f32.s32 v10  }
0x28e: {  	v11 =	vcvt.f32.s32 v11;
	v12 =	vcvt.f32.s32 v12  }
0x28f: {  	v19 =	vadd.f32 v3, v19;
	v13 =	vcvt.f32.s32 v13;
	v14 =	vcvt.f32.s32 v14  }
0x290: {  	v17 =	vld [tilespmem:s31+$0xFFFFFFA0];
	v16 =	vcvt.f32.s32 v16;
	vm8 =	vgt.s32 v8, v1;
	vm9 =	vgt.s32 v15, v1  }
0x291: {  	vm10 =	vgt.s32 v9, v1;
	vm11 =	vgt.s32 v10, v1;
	vm12 =	vgt.s32 v11, v1  }
0x292: {  	v20 =	vld [tilespmem:s31+$0xFFFFFFD0];
	vm13 =	vgt.s32 v12, v1;
	vm5 =	vgt.s32 v13, v1;
	vm14 =	vgt.s32 v14, v1  }
0x293: {  	v23 =	vld [tilespmem:s31+$0xFFFFFF90];
	v8 =	vsel vm8, v8, v1;
	v15 =	vsel vm9, v15, v1;
	v9 =	vsel vm10, v9, v1  }
0x294: {  	v11 =	vsel vm12, v11, v1;
	v21 =	vsel vm13, v12, v1;
	v12 =	vld [tilespmem:s31+$0xFFFFFFE0];
	v8 =	vmin.u32 v8, v4  }
0x295: {  	v22 =	vsel vm14, v14, v1;
	v14 =	vmul.f32 $5.120000000e+02, v17;
	v17 =	vld [tilespmem:s31+$0xFFFFFFF0];
	v15 =	vmin.u32 v15, v4  }
0x296: {  	v9 =	vmin.u32 v9, v4;
	v24 =	vmin.u32 v11, v4;
	v11 =	vadd.f32 v3, v18  }
0x297: {  	v10 =	vsel vm11, v10, v1;
	v18 =	vmul.f32 $5.120000000e+02, v20;
	v14 =	vadd.f32 v3, v14  }
0x298: {  	vm15 =	vgt.s32 v16, v1;
	v10 =	vmin.u32 v10, v4;
	v11 =	vtrunc.f32 v11  }
0x299: {  	v20 =	vtrunc.f32 v14;
	v14 =	vadd.f32 v3, v18;
	v18 =	vmul.f32 $5.120000000e+02, v23;
	[tilespmem:v8+s18+$0x0] =	vst.idx.add.s32.msk $0xffff, v5  }
0x29a: {  	v13 =	vsel vm5, v13, v1;
	v12 =	vmul.f32 $5.120000000e+02, v12;
	v17 =	vmul.f32 $5.120000000e+02, v17;
	[tilespmem:v15+s18+$0x0] =	vst.idx.add.s32.msk $0xffff, v5  }
0x29b: {  	v8 =	vsel vm15, v16, v1;
	v15 =	vadd.f32 v3, v18;
	v16 =	vtrunc.f32 v19;
	[tilespmem:v9+s18+$0x0] =	vst.idx.add.s32.msk $0xffff, v5  }
0x29c: {  	v9 =	vmin.u32 v13, v4;
	v63 =	vadd.f32 v3, v12;
	v12 =	vmin.u32 v8, v4  }
0x29d: {  	v13 =	vcvt.f32.s32 v20;
	v25 =	vadd.f32 v3, v17;
	v17 =	vtrunc.f32 v14  }
0x29e: {  	[tilespmem:v10+s18+$0x0] =	vst.idx.add.s32.msk $0xffff, v5;
	v8 =	vmin.u32 v21, v4;
	v10 =	vtrunc.f32 v15;
	v18 =	vtrunc.f32 v63  }
0x29f: {  	s28 =	simm.s32 $0x15870;
	s26 =	simm.s32 $0x8;
	[tilespmem:v24+s18+$0x0] =	vst.idx.add.s32.msk $0xffff, v5;
	v15 =	vtrunc.f32 v25;
	v14 =	vcvt.f32.s32 v10;
	v10 =	vmin.u32 v22, v4  }
.LBB2_19:
0x2a0: {  	v19 =	vld [tilespmem:s28+$0x0];
	v11 =	vcvt.f32.s32 v11;
	v16 =	vcvt.f32.s32 v16  }
0x2a1: {  	s26 =	sadd.s32 $0x8, s26;
	v17 =	vcvt.f32.s32 v17;
	v18 =	vcvt.f32.s32 v18;
	vm0 =	vgt.s32 v14, v1;
	[tilespmem:v12+s18+$0x0] =	vst.idx.add.s32.msk $0xffff, v5  }
0x2a2: {  	v15 =	vcvt.f32.s32 v15;
	p0 =	slt.u32 s26, $0x308;
	vm1 =	vgt.s32 v13, v1;
	v12 =	vld [tilespmem:s28+$0xFFFFFFA0];
	vm2 =	vgt.s32 v11, v1  }
0x2a3: {  	vm3 =	vgt.s32 v16, v1;
	vm4 =	vgt.s32 v17, v1;
	vm5 =	vgt.s32 v18, v1;
	v20 =	vld [tilespmem:s28+$0xFFFFFFB0]  }
0x2a4: {  	v14 =	vsel vm0, v14, v1;
	v13 =	vsel vm1, v13, v1;
	vm0 =	vgt.s32 v15, v1;
	v21 =	vld [tilespmem:s28+$0xFFFFFFC0]  }
0x2a5: {  	v11 =	vsel vm2, v11, v1;
	v16 =	vsel vm3, v16, v1;
	v23 =	vsel vm4, v17, v1;
	v22 =	vld [tilespmem:s28+$0xFFFFFFD0]  }
0x2a6: {  	v24 =	vsel vm5, v18, v1;
	v25 =	vsel vm0, v15, v1;
	v19 =	vmul.f32 $5.120000000e+02, v19;
	v17 =	vld [tilespmem:s28+$0xFFFFFFE0]  }
0x2a7: {  	v14 =	vmin.u32 v14, v4;
	v13 =	vmin.u32 v13, v4;
	v12 =	vmul.f32 $5.120000000e+02, v12;
	v15 =	vld [tilespmem:s28+$0xFFFFFFF0]  }
0x2a8: {  	v26 =	vmin.u32 v11, v4;
	v19 =	vadd.f32 v3, v19;
	v18 =	vld [tilespmem:s28+$0xFFFFFF90];
	v20 =	vmul.f32 $5.120000000e+02, v20  }
0x2a9: {  	v11 =	vadd.f32 v3, v12;
	v12 =	vmul.f32 $5.120000000e+02, v21;
	v21 =	vmin.u32 v16, v4;
	[tilespmem:v8+s18+$0x0] =	vst.idx.add.s32.msk $0xffff, v5  }
0x2aa: {  	v19 =	vtrunc.f32 v19;
	v8 =	vadd.f32 v3, v20;
	v16 =	vmul.f32 $5.120000000e+02, v22;
	[tilespmem:v9+s18+$0x0] =	vst.idx.add.s32.msk $0xffff, v5  }
0x2ab: {  	v9 =	vadd.f32 v3, v12;
	v12 =	vmul.f32 $5.120000000e+02, v17;
	v17 =	vcvt.f32.s32 v19;
	[tilespmem:v10+s18+$0x0] =	vst.idx.add.s32.msk $0xffff, v5  }
0x2ac: {  	v10 =	vtrunc.f32 v11;
	v19 =	vadd.f32 v3, v16;
	v15 =	vmul.f32 $5.120000000e+02, v15;
	[tilespmem:v14+s18+$0x0] =	vst.idx.add.s32.msk $0xffff, v5  }
0x2ad: {  	v14 =	vmul.f32 $5.120000000e+02, v18;
	v18 =	vadd.f32 v3, v12;
	vm0 =	vgt.s32 v17, v1;
	[tilespmem:v13+s18+$0x0] =	vst.idx.add.s32.msk $0xffff, v5  }
.Ltmp10:
0x2ae: {  	v11 =	vtrunc.f32 v8;
	v13 =	vadd.f32 v3, v15;
	v8 =	vsel vm0, v17, v1;
	[tilespmem:v26+s18+$0x0] =	vst.idx.add.s32.msk $0xffff, v5;
	(pc) =	sbr.rel @p0 .LBB2_19-.Ltmp10, $4  }
0x2af: {  	v16 =	vtrunc.f32 v9;
	v14 =	vadd.f32 v3, v14;
	v12 =	vmin.u32 v8, v4;
	[tilespmem:v21+s18+$0x0] =	vst.idx.add.s32.msk $0xffff, v5  }
0x2b0: {  	v17 =	vtrunc.f32 v19;
	v18 =	vtrunc.f32 v18;
	v8 =	vmin.u32 v23, v4  }
0x2b1: {  	v9 =	vmin.u32 v24, v4;
	v15 =	vtrunc.f32 v13;
	v14 =	vtrunc.f32 v14  }
0x2b2: {  	s28 =	sadd.s32 $0x80, s28;
	v13 =	vcvt.f32.s32 v10;
	v10 =	vmin.u32 v25, v4;
	v14 =	vcvt.f32.s32 v14  }
0x2b3: {  	_ =	sdelay $0x3  }
0x2b4: {  	[tilespmem:v12+s18+$0x0] =	vst.idx.add.s32.msk $0xffff, v5  }
0x2b5: {  	v11 =	vcvt.f32.s32 v11;
	v16 =	vcvt.f32.s32 v16;
	[tilespmem:v8+s18+$0x0] =	vst.idx.add.s32.msk $0xffff, v5  }
0x2b6: {  	v17 =	vcvt.f32.s32 v17;
	v18 =	vcvt.f32.s32 v18;
	[tilespmem:v9+s18+$0x0] =	vst.idx.add.s32.msk $0xffff, v5;
	vm0 =	vgt.s32 v14, v1  }
0x2b7: {  	v62 =	vcvt.f32.s32 v15;
	[tilespmem:v10+s18+$0x0] =	vst.idx.add.s32.msk $0xffff, v5;
	vm1 =	vgt.s32 v13, v1;
	v14 =	vsel vm0, v14, v1  }
0x2b8: {  	vm2 =	vgt.s32 v11, v1;
	v13 =	vsel vm1, v13, v1;
	v14 =	vmin.u32 v14, v4  }
0x2b9: {  	vm3 =	vgt.s32 v16, v1;
	v11 =	vsel vm2, v11, v1;
	v13 =	vmin.u32 v13, v4  }
0x2ba: {  	vm4 =	vgt.s32 v17, v1;
	v63 =	vsel vm3, v16, v1;
	v11 =	vmin.u32 v11, v4  }
0x2bb: {  	vm14 =	vgt.s32 v18, v1;
	v8 =	vsel vm4, v17, v1;
	v15 =	vmin.u32 v63, v4  }
0x2bc: {  	vm15 =	vgt.s32 v62, v1;
	v9 =	vsel vm14, v18, v1;
	v8 =	vmin.u32 v8, v4  }
0x2bd: {  	v10 =	vsel vm15, v62, v1;
	v9 =	vmin.u32 v9, v4;
	[tilespmem:v14+s18+$0x0] =	vst.idx.add.s32.msk $0xffff, v5  }
0x2be: {  	v10 =	vmin.u32 v10, v4;
	[tilespmem:v13+s18+$0x0] =	vst.idx.add.s32.msk $0xffff, v5  }
0x2bf: {  	p3 =	por $0x1, $0x1;
	[tilespmem:v11+s18+$0x0] =	vst.idx.add.s32.msk $0xffff, v5  }
.Ltmp11:
0x2c0: {  	[tilespmem:v15+s18+$0x0] =	vst.idx.add.s32.msk $0xffff, v5;
	(pc) =	sbr.rel @!p3 .LBB2_21-.Ltmp11, $4  }
0x2c1: {  	[tilespmem:v8+s18+$0x0] =	vst.idx.add.s32.msk $0xffff, v5  }
0x2c2: {  	[tilespmem:v9+s18+$0x0] =	vst.idx.add.s32.msk $0xffff, v5  }
0x2c3: {  	s26 =	simm.s32 $0x0;
	s29 =	simm.s32 $0x0;
	[tilespmem:v10+s18+$0x0] =	vst.idx.add.s32.msk $0xffff, v5  }
0x2c4: {  	p0 =	por $0x0, $0x0;
	p1 =	por $0x0, $0x0;
	p2 =	por $0x0, $0x0;
	v10 =	vld [tilespmem:s29+$0x18BF0]  }
0x2c5: {  	v8 =	vld [tilespmem:s29+$0x19001]  }
0x2c6: {  	v9 =	vld [tilespmem:s29+$0x19412]  }
0x2c7: {  	v11 =	vld [tilespmem:s29+$0x19823]  }
0x2c8: {  	v12 =	vld [tilespmem:s29+$0x19C34]  }
0x2c9: {  	v13 =	vld [tilespmem:s29+$0x1A045]  }
0x2ca: {  	v8 =	vadd.s32 v10, v8;
	v10 =	vld [tilespmem:s29+$0x1A456]  }
0x2cb: {  	v8 =	vadd.s32 v9, v8;
	v9 =	vld [tilespmem:s29+$0x1A867]  }
0x2cc: {  	v14 =	vld [tilespmem:s29+$0x1AC78];
	v8 =	vadd.s32 v11, v8  }
0x2cd: {  	v15 =	vld [tilespmem:s29+$0x1B089];
	v8 =	vadd.s32 v12, v8  }
0x2ce: {  	v16 =	vld [tilespmem:s29+$0x1B49A];
	v8 =	vadd.s32 v13, v8  }
0x2cf: {  	v17 =	vld [tilespmem:s29+$0x1B8AB];
	p3 =	por $0x1, $0x1;
	v8 =	vadd.s32 v10, v8  }
.Ltmp12:
0x2d0: {  	v11 =	vld [tilespmem:s29+$0x1BCBC];
	v8 =	vadd.s32 v9, v8;
	(pc) =	sbr.rel @!p3 .LBB2_23-.Ltmp12, $4  }
0x2d1: {  	v12 =	vld [tilespmem:s29+$0x1C0CD];
	v8 =	vadd.s32 v14, v8  }
0x2d2: {  	s28 =	simm.s32 $0xFFFFFFF0;
	v13 =	vld [tilespmem:s29+$0x1C4DE];
	v8 =	vadd.s32 v15, v8  }
0x2d3: {  	v10 =	vld [tilespmem:s28+$0x18BF0];
	v8 =	vadd.s32 v16, v8  }
0x2d4: {  	p0 =	por $0x1, $0x1;
	v14 =	vld [tilespmem:s29+$0x1C8EF];
	v15 =	vadd.s32 v17, v8  }
0x2d5: {  	_ = 	snop  }
0x2d6: {  	v8 =	vld [tilespmem:s28+$0x19001];
	v9 =	vadd.s32 v11, v15  }
0x2d7: {  	v11 =	vld [tilespmem:s28+$0x19412];
	v9 =	vadd.s32 v12, v9;
	v12 =	vmul.u32 $0xFFFFFFFF, v0  }
0x2d8: {  	v15 =	vld [tilespmem:s28+$0x19823];
	v9 =	vadd.s32 v13, v9  }
0x2d9: {  	v13 =	vld [tilespmem:s28+$0x19C34];
	v14 =	vadd.s32 v14, v9;
	v9 =	vadd.s32 $0xF, v12  }
0x2da: {  	v12 =	vld [tilespmem:s28+$0x1A045];
	v16 =	vperm.xlane v14, v9  }
0x2db: {  	v8 =	vadd.s32 v10, v8;
	v10 =	vld [tilespmem:s28+$0x1A456]  }
0x2dc: {  	v8 =	vadd.s32 v11, v8;
	v11 =	vld [tilespmem:s28+$0x1A867];
	(xrf0) =	vadd.scan.msk.s32 $0xffff, v16  }
0x2dd: {  	v8 =	vadd.s32 v15, v8;
	v15 =	vld [tilespmem:s28+$0x1AC78]  }
0x2de: {  	(xrf0) =	vadd.scan.msk.s32 $0xffff, v14;
	v8 =	vadd.s32 v13, v8;
	v13 =	vld [tilespmem:s28+$0x1B089]  }
0x2df: {  	v14 =	vld [tilespmem:s28+$0x1B49A];
	v8 =	vadd.s32 v12, v8  }
0x2e0: {  	p3 =	por $0x1, $0x1;
	v16 =	vld [tilespmem:s28+$0x1B8AB];
	v8 =	vadd.s32 v10, v8  }
.Ltmp13:
0x2e1: {  	v12 =	vld [tilespmem:s28+$0x1C0CD];
	v8 =	vadd.s32 v11, v8;
	(pc) =	sbr.rel @!p3 .LBB2_25-.Ltmp13, $4  }
0x2e2: {  	v11 =	vld [tilespmem:s28+$0x1BCBC];
	v8 =	vadd.s32 v15, v8;
	v10, _, _ =	vpop (xrf0)  }
0x2e3: {  	v8 =	vadd.s32 v13, v8;
	v13 =	vld [tilespmem:s28+$0x1C4DE];
	v17 =	vperm.xlane v10, v9  }
0x2e4: {  	s29 =	simm.s32 $0xFFFFFFE0;
	v10, _, _ =	vpop (xrf0);
	v8 =	vadd.s32 v14, v8;
	v14 =	vld [tilespmem:s28+$0x1C8EF]  }
0x2e5: {  	p1 =	por $0x1, $0x1;
	(v2sf) =	vpush v10, $0xF;
	v10 =	vld [tilespmem:s29+$0x18BF0];
	v15 =	vadd.s32 v16, v8;
	v8 =	vadd.s32 s26, v17  }
0x2e6: {  	_ = 	snop  }
0x2e7: {  	v16 =	vld [tilespmem:s29+$0x19001];
	v11 =	vadd.s32 v11, v15  }
0x2e8: {  	v15 =	vld [tilespmem:s29+$0x19412];
	v11 =	vadd.s32 v12, v11  }
0x2e9: {  	vm0 =	vgt.s32 v8, $0x227;
	v12 =	vld [tilespmem:s29+$0x19823];
	v11 =	vadd.s32 v13, v11  }
0x2ea: {  	v13 =	vld [tilespmem:s29+$0x19C34];
	v11 =	vadd.s32 v14, v11;
	v14 =	vsel vm0, $0x1, v2  }
0x2eb: {  	v17 =	vld [tilespmem:s29+$0x1A045];
	(xrf0) =	vadd.scan.msk.s32 $0xffff, v14  }
0x2ec: {  	v10 =	vadd.s32 v10, v16;
	v14 =	vld [tilespmem:s29+$0x1A456]  }
0x2ed: {  	v18 =	vperm.xlane v11, v9;
	v10 =	vadd.s32 v15, v10  }
0x2ee: {  	v10 =	vadd.s32 v12, v10  }
0x2ef: {  	v15 =	vld [tilespmem:s29+$0x1A867];
	(xrf0) =	vadd.scan.msk.s32 $0xffff, v18;
	v10 =	vadd.s32 v13, v10  }
0x2f0: {  	v12 =	vld [tilespmem:s29+$0x1AC78];
	(xrf0) =	vadd.scan.msk.s32 $0xffff, v11;
	v10 =	vadd.s32 v17, v10  }
0x2f1: {  	v13 =	vld [tilespmem:s29+$0x1B089];
	v10 =	vadd.s32 v14, v10;
	v14, _, _ =	vpop (xrf0)  }
0x2f2: {  	v16 =	vld [tilespmem:s29+$0x1B49A];
	(v2sf) =	vpush v14, $0xF  }
0x2f3: {  	p3 =	por $0x1, $0x1;
	v17 =	vld [tilespmem:s29+$0x1B8AB]  }
.Ltmp14:
0x2f4: {  	v11 =	vld [tilespmem:s29+$0x1BCBC];
	v10 =	vadd.s32 v15, v10;
	(pc) =	sbr.rel @!p3 .LBB2_27-.Ltmp14, $4  }
0x2f5: {  	v10 =	vadd.s32 v12, v10;
	v12 =	vld [tilespmem:s29+$0x1C0CD];
	v15, _, _ =	vpop (xrf0)  }
0x2f6: {  	v10 =	vadd.s32 v13, v10;
	v13 =	vld [tilespmem:s29+$0x1C4DE];
	v18 =	vperm.xlane v15, v9;
	s28 =	spop (v2sf);
	v15, _, _ =	vpop (xrf0)  }
0x2f7: {  	s31 =	simm.s32 $0xFFFFFFD0;
	v14 =	vld [tilespmem:s29+$0x1C8EF];
	v16 =	vadd.s32 v16, v10;
	s30 =	sadd.s32 $0x0, s28;
	(v2sf) =	vpush v15, $0xF  }
0x2f8: {  	p2 =	por $0x1, $0x1;
	s29 =	simm.s32 $0xFFFFFF00;
	v10 =	vld [tilespmem:s31+$0x18BF0];
	v15 =	vadd.s32 v17, v16;
	s28 =	simm.s32 $0x0;
	v16 =	vadd.s32 s30, v18  }
.LBB2_28:
0x2f9: {  	p3 =	sne.s32 s29, $0xFFFFF040;
	v17 =	vld [tilespmem:s31+$0x19001];
	v11 =	vadd.s32 v11, v15;
	vm0 =	vgt.s32 v16, $0x227  }
0x2fa: {  	v15 =	vld [tilespmem:s31+$0x19412];
	v11 =	vadd.s32 v12, v11;
	v12 =	vsel vm0, $0x1, v2  }
0x2fb: {  	v16 =	vld [tilespmem:s31+$0x19823];
	v11 =	vadd.s32 v13, v11;
	(xrf0) =	vadd.scan.msk.s32 $0xffff, v12  }
0x2fc: {  	v12 =	vld [tilespmem:s31+$0x19C34];
	v11 =	vadd.s32 v14, v11  }
0x2fd: {  	v13 =	vld [tilespmem:s31+$0x1A045];
	v14 =	vperm.xlane v11, v9  }
0x2fe: {  	v10 =	vadd.s32 v10, v17;
	v17 =	vld [tilespmem:s31+$0x1A456]  }
0x2ff: {  	v10 =	vadd.s32 v15, v10;
	v15 =	vld [tilespmem:s31+$0x1A867];
	(xrf0) =	vadd.scan.msk.s32 $0xffff, v14  }
0x300: {  	v10 =	vadd.s32 v16, v10;
	v14 =	vld [tilespmem:s31+$0x1AC78];
	(xrf0) =	vadd.scan.msk.s32 $0xffff, v11  }
0x301: {  	v10 =	vadd.s32 v12, v10;
	v16 =	vld [tilespmem:s31+$0x1B089];
	v11, _, _ =	vpop (xrf0);
	s0 =	spop (v2sf)  }
0x302: {  	v10 =	vadd.s32 v13, v10;
	v18 =	vld [tilespmem:s31+$0x1B49A];
	(v2sf) =	vpush v11, $0xF;
	s28 =	sadd.s32 s28, s0  }
0x303: {  	v10 =	vadd.s32 v17, v10;
	v17 =	vld [tilespmem:s31+$0x1B8AB]  }
.Ltmp15:
0x304: {  	v10 =	vadd.s32 v15, v10;
	v11 =	vld [tilespmem:s31+$0x1BCBC];
	(pc) =	sbr.rel @p3 .LBB2_28-.Ltmp15, $4  }
0x305: {  	v10 =	vadd.s32 v14, v10;
	v12 =	vld [tilespmem:s31+$0x1C0CD];
	v14, _, _ =	vpop (xrf0)  }
0x306: {  	v10 =	vadd.s32 v16, v10;
	v13 =	vld [tilespmem:s31+$0x1C4DE];
	v16 =	vperm.xlane v14, v9;
	v15, _, _ =	vpop (xrf0);
	s0 =	spop (v2sf)  }
0x307: {  	v18 =	vadd.s32 v18, v10;
	v14 =	vld [tilespmem:s31+$0x1C8EF];
	s31 =	sshra.s32 s29, $0x2;
	(v2sf) =	vpush v15, $0xF;
	s30 =	sadd.s32 s30, s0  }
0x308: {  	s29 =	sadd.s32 $0xFFFFFFC0, s29;
	v10 =	vld [tilespmem:s31+$0x18BF0];
	v15 =	vadd.s32 v17, v18;
	v16 =	vadd.s32 s30, v16  }
0x309: {  	s29 =	smov.u32 s31  }
.LBB2_30:
0x30a: {  	v9 =	vadd.s32 @p0 v11, v15  }
0x30b: {  	v45 =	vld [tilespmem:s29+$0x19001];
	v9 =	vadd.s32 @p0 v12, v9;
	v12 =	vmul.u32 @p0 $0xFFFFFFFF, v0  }
0x30c: {  	v46 =	vld [tilespmem:s29+$0x19412];
	v9 =	vadd.s32 @p0 v13, v9  }
0x30d: {  	vm0 =	vgt.s32 @p1 v16, $0x227;
	v47 =	vld [tilespmem:s29+$0x19823];
	v9 =	vadd.s32 @p0 v14, v9;
	v12 =	vadd.s32 @p0 $0xF, v12  }
0x30e: {  	v48 =	vld [tilespmem:s29+$0x19C34];
	v14 =	vsel @p1 vm0, $0x1, v2;
	v17 =	vperm.xlane @p0 v9, v12  }
0x30f: {  	v49 =	vld [tilespmem:s29+$0x1A045];
	(xrf0) =	vadd.scan.msk.s32 @p1 $0xffff, v14  }
0x310: {  	v50 =	vld [tilespmem:s29+$0x1A456];
	v10 =	vadd.s32 v10, v45;
	(xrf0) =	vadd.scan.msk.s32 @p0 $0xffff, v17  }
0x311: {  	v51 =	vld [tilespmem:s29+$0x1A867];
	v10 =	vadd.s32 v46, v10;
	(xrf0) =	vadd.scan.msk.s32 @p0 $0xffff, v9  }
0x312: {  	v53 =	vld [tilespmem:s29+$0x1AC78];
	v52 =	vadd.s32 v47, v10  }
0x313: {  	v54 =	vld [tilespmem:s29+$0x1B089];
	v9 =	vadd.s32 v48, v52  }
0x314: {  	v55 =	vld [tilespmem:s29+$0x1B49A];
	v9 =	vadd.s32 v49, v9  }
0x315: {  	v56 =	vld [tilespmem:s29+$0x1B8AB];
	v16, _, _ =	vpop @p1 (xrf0);
	v9 =	vadd.s32 v50, v9  }
0x316: {  	v57 =	vld [tilespmem:s29+$0x1BCBC];
	v9 =	vadd.s32 v51, v9;
	v17, _, _ =	vpop @p0 (xrf0)  }
0x317: {  	v58 =	vld [tilespmem:s29+$0x1C0CD];
	(v2sf) =	vpush @p1 v16, $0xF;
	v9 =	vadd.s32 v53, v9;
	v16, _, _ =	vpop @p0 (xrf0)  }
0x318: {  	v59 =	vld [tilespmem:s29+$0x1C4DE];
	s0 =	spop @p2 (v2sf);
	v9 =	vadd.s32 v54, v9;
	(v2sf) =	vpush @p0 v16, $0xF  }
0x319: {  	v60 =	vld [tilespmem:s29+$0x1C8EF];
	s31 =	spop @p1 (v2sf);
	v9 =	vadd.s32 v55, v9  }
0x31a: {  	v12 =	vperm.xlane @p0 v17, v12;
	s29 =	sadd.s32 @p1 s30, s31;
	s30 =	simm.s32 $0x0;
	v9 =	vadd.s32 v56, v9  }
0x31b: {  	s30 =	smov.u32 @p1 s29;
	v9 =	vadd.s32 v57, v9  }
0x31c: {  	v61 =	vmul.u32 $0xFFFFFFFF, v0;
	v11 =	vadd.s32 @p0 s30, v12;
	v9 =	vadd.s32 v58, v9  }
0x31d: {  	v8 =	vpsel p0, v11, v8;
	v9 =	vadd.s32 v59, v9  }
0x31e: {  	v62 =	vadd.s32 $0xF, v61;
	vm0 =	vgt.s32 @p0 v8, $0x227;
	v8 =	vadd.s32 v60, v9  }
0x31f: {  	v10 =	vsel @p0 vm0, $0x1, v2;
	v63 =	vperm.xlane v8, v62  }
0x320: {  	(xrf0) =	vadd.scan.msk.s32 @p0 $0xffff, v10  }
0x321: {  	(xrf0) =	vadd.scan.msk.s32 $0xffff, v63;
	_ =	sdelay $0x4  }
0x322: {  	v10, _, _ =	vpop @p0 (xrf0);
	s31 =	spop @p1 (v2sf)  }
0x323: {  	v11, _, _ =	vpop (xrf0);
	s29 =	spop @p0 (v2sf)  }
0x324: {  	v9 =	vperm.xlane v11, v62;
	s29 =	sadd.s32 @p0 s30, s29;
	s30 =	simm.s32 $0x0  }
0x325: {  	s30 =	smov.u32 @p0 s29  }
0x326: {  	v9 =	vadd.s32 s30, v9  }
0x327: {  	vm15 =	vgt.s32 v9, $0x227  }
0x328: {  	(xrf0) =	vadd.scan.msk.s32 $0xffff, v8;
	v8 =	vsel vm15, $0x1, v2  }
0x329: {  	(xrf0) =	vadd.scan.msk.s32 $0xffff, v8;
	_ =	sdelay $0x4  }
0x32a: {  	(v2sf) =	vpush @p0 v10, $0xF;
	v8, _, _ =	vpop (xrf0)  }
0x32b: {  	(v2sf) =	vpush v8, $0xF;
	v8, _, _ =	vpop (xrf0)  }
0x32c: {  	(v2sf) =	vpush v8, $0xF;
	_ =	sdelay $0x7  }
0x32d: {  	s30 =	simm.s32 $0x1C9A0  }
0x32e: {  	s29 =	simm.s32 $0x1CE20;
	[tilespmem:s30+$0xFFFFFFE0] =	vst v6  }
0x32f: {  	s0 =	sadd.s32 @p2 s28, s0;
	s28 =	simm.s32 $0x0;
	[tilespmem:s29+$0xFFFFFFE0] =	vst v7  }
0x330: {  	s28 =	smov.u32 @p2 s0;
	[tilespmem:s30+$0xFFFFFFF0] =	vst v6  }
0x331: {  	s0 =	sadd.s32 @p1 s28, s31;
	s28 =	simm.s32 $0x0;
	[tilespmem:s29+$0xFFFFFFF0] =	vst v7  }
0x332: {  	s28 =	smov.u32 @p1 s0;
	[tilespmem:s30+$0x0] =	vst v6;
	s0 =	spop @p0 (v2sf)  }
0x333: {  	[tilespmem:s29+$0x0] =	vst v7;
	s0 =	sadd.s32 @p0 s28, s0;
	s28 =	spop (v2sf)  }
0x334: {  	[tilespmem:s30+$0x10] =	vst v6;
	s26 =	smov.u32 @p0 s0;
	s31 =	spop (v2sf)  }
0x335: {  	s30 =	simm.s32 $0x1C9E0;
	[tilespmem:s29+$0x10] =	vst v7;
	s28 =	simm.s32 $0x0;
	s26 =	sadd.s32 s26, s31  }
.LBB2_31:
0x336: {  	[tilespmem:s30+$0xFFFFFFE0] =	vst v6;
	s29 =	sadd.s32 $0x40, s29  }
0x337: {  	s28 =	sadd.s32 $0x4, s28;
	[tilespmem:s29+$0xFFFFFFE0] =	vst v7  }
0x338: {  	p0 =	slt.u32 s28, $0x3C;
	[tilespmem:s30+$0xFFFFFFF0] =	vst v6  }
.Ltmp16:
0x339: {  	[tilespmem:s29+$0xFFFFFFF0] =	vst v7;
	(pc) =	sbr.rel @p0 .LBB2_31-.Ltmp16, $4  }
0x33a: {  	[tilespmem:s30+$0x0] =	vst v6  }
0x33b: {  	[tilespmem:s29+$0x0] =	vst v7  }
0x33c: {  	[tilespmem:s30+$0x10] =	vst v6  }
0x33d: {  	s30 =	sadd.s32 $0x40, s30;
	[tilespmem:s29+$0x10] =	vst v7  }
0x33e: {  	[tilespmem:$0x1CD80] =	vst v6  }
0x33f: {  	[tilespmem:$0x1D200] =	vst v7;
	s0 =	simm.s32 $0x40  }
0x340: {  	v9 =	vld [tilespmem:s0+$0xFFFFFFE0]  }
0x341: {  	v10 =	vld [tilespmem:s0+$0xFFFFFFF0]  }
0x342: {  	v8 =	vld [tilespmem:s0+$0x0]  }
0x343: {  	v13 =	vld [tilespmem:s0+$0x10]  }
0x344: {  	v11 =	vld [tilespmem:s0+$0x20]  }
0x345: {  	v12 =	vld [tilespmem:s0+$0x30]  }
0x346: {  	v15 =	vld [tilespmem:s0+$0xFFFFFFC0]  }
0x347: {  	v16 =	vld [tilespmem:s0+$0xFFFFFFD0]  }
0x348: {  	v14 =	vmul.f32 $5.120000000e+02, v9  }
0x349: {  	v18 =	vmul.f32 $5.120000000e+02, v10;
	v19 =	vmul.f32 $5.120000000e+02, v8  }
0x34a: {  	v26 =	vimm.s32 $0xFFFFFFFF;
	v20 =	vmul.f32 $5.120000000e+02, v13;
	v21 =	vmul.f32 $5.120000000e+02, v11  }
0x34b: {  	v22 =	vmul.f32 $5.120000000e+02, v12;
	v23 =	vmul.f32 $5.120000000e+02, v15;
	v14 =	vadd.f32 $5.120000000e+02, v14  }
0x34c: {  	v24 =	vmul.f32 $5.120000000e+02, v16;
	v18 =	vadd.f32 $5.120000000e+02, v18;
	v19 =	vadd.f32 $5.120000000e+02, v19  }
0x34d: {  	v20 =	vadd.f32 $5.120000000e+02, v20;
	v25 =	vtrunc.f32 v14;
	v14 =	vadd.f32 $5.120000000e+02, v23  }
0x34e: {  	v18 =	vtrunc.f32 v18;
	v23 =	vadd.f32 $5.120000000e+02, v24;
	v19 =	vtrunc.f32 v19  }
0x34f: {  	v21 =	vadd.f32 $5.120000000e+02, v21;
	v20 =	vtrunc.f32 v20;
	v14 =	vtrunc.f32 v14  }
0x350: {  	s31 =	sadd.s32 $0xFFFFFFFF, s26;
	v22 =	vadd.f32 $5.120000000e+02, v22;
	v23 =	vtrunc.f32 v23;
	v24 =	vcvt.f32.s32 v14  }
0x351: {  	v17 =	vmov s31;
	v21 =	vtrunc.f32 v21;
	v23 =	vcvt.f32.s32 v23  }
0x352: {  	v22 =	vtrunc.f32 v22;
	v25 =	vcvt.f32.s32 v25;
	vm5 =	vle.s32 v17, v24  }
0x353: {  	v18 =	vcvt.f32.s32 v18;
	v19 =	vcvt.f32.s32 v19;
	vm3 =	vle.s32 v17, v23;
	(xrf0) =	vadd.scan.msk.s32 vm5, v5  }
0x354: {  	v20 =	vcvt.f32.s32 v20;
	vm2 =	vle.s32 v17, v25;
	v24 =	vmpcnt.ones.xlane vm5;
	(xrf0) =	vadd.scan.msk.s32 vm3, v5  }
0x355: {  	vm0 =	vle.s32 v17, v19;
	v19 =	vcvt.f32.s32 v21;
	v23 =	vmpcnt.ones.xlane vm3  }
0x356: {  	vm1 =	vle.s32 v17, v18;
	v28 =	vadd.s32 v26, v24;
	v24 =	vmpcnt.ones.xlane vm2;
	(xrf0) =	vadd.scan.msk.s32 vm2, v5  }
0x357: {  	v25 =	vcvt.f32.s32 v22;
	v18 =	vadd.s32 v28, v23;
	v23 =	vmpcnt.ones.xlane vm1  }
0x358: {  	vm7 =	vle.s32 v17, v20;
	v21 =	vmpcnt.ones.xlane vm0;
	(xrf0) =	vadd.scan.msk.s32 vm1, v5;
	v24 =	vadd.s32 v18, v24  }
0x359: {  	v20 =	vmpcnt.ones.xlane vm7;
	vm4 =	vle.s32 v17, v19;
	v23 =	vadd.s32 v24, v23;
	v19, _, _ =	vpop (xrf0);
	(xrf0) =	vadd.scan.msk.s32 vm0, v5  }
0x35a: {  	v22 =	vadd.s32 v23, v21;
	v21 =	vmpcnt.ones.xlane vm4;
	v27 =	vadd.s32 v26, v19;
	v19, _, _ =	vpop (xrf0);
	(xrf0) =	vadd.scan.msk.s32 vm7, v5  }
0x35b: {  	v14 =	vlaneseq.u32;
	vm6 =	vle.s32 v17, v25;
	(xrf0) =	vadd.scan.msk.s32 vm4, v5  }
0x35c: {  	v29 =	vmpcnt.ones.xlane vm6;
	v25 =	vadd.s32 v22, v20;
	v28 =	vadd.s32 v28, v19;
	v19, _, _ =	vpop (xrf0);
	(xrf0) =	vadd.scan.msk.s32 vm6, v5  }
0x35d: {  	vm9 =	vlt.s32 v27, $0x40F;
	v26 =	vadd.s32 v25, v21;
	vm8 =	vlt.s32 v28, $0x40F  }
0x35e: {  	s26 =	simm.s32 $0x0;
	s28 =	simm.s32 $0xC0;
	v20 =	vadd.s32 v18, v19;
	v19 =	vadd.s32 v26, v29;
	v18 =	vlaneseq.u32;
	v21, _, _ =	vpop (xrf0)  }
.LBB2_33:
0x35f: {  	v29 =	vld [tilespmem:s28+$0xFFFFFFE0];
	s26 =	sadd.s32 $0x8, s26;
	v27 =	vnsel vm9, $0x40F, v27;
	vm9 =	vlt.s32 v20, $0x40F;
	v21 =	vadd.s32 v24, v21;
	v24, _, _ =	vpop (xrf0)  }
0x360: {  	v28 =	vnsel vm8, $0x40F, v28;
	v30 =	vld [tilespmem:s28+$0xFFFFFFF0];
	p0 =	slt.u32 s26, $0x1878;
	vm8 =	vlt.s32 v21, $0x40F;
	v23 =	vadd.s32 v23, v24;
	v24, _, _ =	vpop (xrf0)  }
0x361: {  	v32 =	vnsel vm9, $0x40F, v20;
	v31 =	vld [tilespmem:s28+$0x0];
	vm9 =	vlt.s32 v23, $0x40F;
	v22 =	vadd.s32 v22, v24;
	v20, _, _ =	vpop (xrf0)  }
0x362: {  	v33 =	vnsel vm8, $0x40F, v21;
	v24 =	vld [tilespmem:s28+$0x10];
	vm8 =	vlt.s32 v22, $0x40F;
	v25 =	vadd.s32 v25, v20;
	v20, _, _ =	vpop (xrf0)  }
0x363: {  	v23 =	vnsel vm9, $0x40F, v23;
	v34 =	vld [tilespmem:s28+$0x20];
	vm9 =	vlt.s32 v25, $0x40F;
	v26 =	vadd.s32 v26, v20;
	v20 =	vmovc v13  }
0x364: {  	v21 =	vnsel vm8, $0x40F, v22;
	v35 =	vld [tilespmem:s28+$0x30];
	[tilespmem:v27+s19+$0x0] =	vst.idx.msk vm5, v14;
	v22 =	vnsel vm9, $0x40F, v25;
	vm8 =	vlt.s32 v26, $0x40F  }
0x365: {  	v40 =	vadd.s32 $0x10, v14;
	v25 =	vld [tilespmem:s28+$0xFFFFFFD0];
	[tilespmem:v27+s20+$0x0] =	vst.idx.msk vm5, v15;
	v26 =	vnsel vm8, $0x40F, v26;
	vm8 =	vmmov vm7  }
0x366: {  	v36 =	vadd.s32 $0x20, v14;
	v37 =	vadd.s32 $0x30, v14;
	v27 =	vmul.f32 $5.120000000e+02, v29;
	v15 =	vld [tilespmem:s28+$0xFFFFFFC0];
	[tilespmem:v28+s19+$0x0] =	vst.idx.msk vm3, v40  }
0x367: {  	v38 =	vmul.f32 $5.120000000e+02, v30;
	v39 =	vmul.f32 $5.120000000e+02, v31;
	[tilespmem:v28+s20+$0x0] =	vst.idx.msk vm3, v16;
	v16 =	vadd.s32 $0x60, v14;
	v13 =	vmovc v24  }
0x368: {  	v24 =	vmul.f32 $5.120000000e+02, v13;
	v28 =	vmul.f32 $5.120000000e+02, v34;
	[tilespmem:v32+s19+$0x0] =	vst.idx.msk vm2, v36;
	v36 =	vadd.s32 $0x70, v14  }
0x369: {  	v27 =	vadd.f32 $5.120000000e+02, v27;
	v38 =	vadd.f32 $5.120000000e+02, v38;
	v40 =	vmul.f32 $5.120000000e+02, v35;
	[tilespmem:v22+s19+$0x0] =	vst.idx.msk vm4, v16  }
0x36a: {  	v39 =	vadd.f32 $5.120000000e+02, v39;
	v41 =	vmul.f32 $5.120000000e+02, v25;
	v24 =	vadd.f32 $5.120000000e+02, v24;
	[tilespmem:v26+s19+$0x0] =	vst.idx.msk vm6, v36;
	v16 =	vmovc v25  }
0x36b: {  	v28 =	vadd.f32 $5.120000000e+02, v28;
	v25 =	vmul.f32 $5.120000000e+02, v15;
	v36 =	vadd.f32 $5.120000000e+02, v40;
	[tilespmem:v26+s20+$0x0] =	vst.idx.msk vm6, v12;
	v12 =	vmovc v35  }
0x36c: {  	v27 =	vtrunc.f32 v27;
	v35 =	vtrunc.f32 v38;
	v26 =	vadd.f32 $5.120000000e+02, v41;
	[tilespmem:v22+s20+$0x0] =	vst.idx.msk vm4, v11;
	v11 =	vmovc v34  }
0x36d: {  	v24 =	vtrunc.f32 v24;
	v22 =	vadd.f32 $5.120000000e+02, v25;
	v25 =	vtrunc.f32 v39;
	[tilespmem:v32+s20+$0x0] =	vst.idx.msk vm2, v9;
	v9 =	vmovc v29  }
0x36e: {  	v28 =	vtrunc.f32 v28;
	v29 =	vtrunc.f32 v36;
	[tilespmem:v33+s19+$0x0] =	vst.idx.msk vm1, v37  }
0x36f: {  	v32 =	vadd.s32 $0x40, v14;
	v26 =	vtrunc.f32 v26;
	v22 =	vtrunc.f32 v22;
	[tilespmem:v33+s20+$0x0] =	vst.idx.msk vm1, v10;
	v10 =	vmovc v30  }
0x370: {  	v27 =	vcvt.f32.s32 v27;
	v14 =	vadd.s32 $0x80, v14;
	v22 =	vcvt.f32.s32 v22;
	[tilespmem:v23+s19+$0x0] =	vst.idx.msk vm0, v32  }
0x371: {  	v26 =	vcvt.f32.s32 v26;
	v30 =	vcvt.f32.s32 v35;
	[tilespmem:v23+s20+$0x0] =	vst.idx.msk vm0, v8;
	v23 =	vadd.s32 $0x50, v18;
	v8 =	vmovc v31;
	v18 =	vmovc v14  }
0x372: {  	vm5 =	vle.s32 v17, v22;
	v22 =	vcvt.f32.s32 v25;
	v25 =	vcvt.f32.s32 v24;
	[tilespmem:v21+s19+$0x0] =	vst.idx.msk vm8, v23  }
0x373: {  	vm3 =	vle.s32 v17, v26;
	v26 =	vcvt.f32.s32 v28;
	v23 =	vmpcnt.ones.xlane vm5;
	(xrf0) =	vadd.scan.msk.s32 vm5, v5  }
0x374: {  	vm2 =	vle.s32 v17, v27;
	v27 =	vcvt.f32.s32 v29;
	v24 =	vmpcnt.ones.xlane vm3;
	(xrf0) =	vadd.scan.msk.s32 vm3, v5  }
0x375: {  	vm1 =	vle.s32 v17, v30;
	v28 =	vadd.s32 v19, v23;
	v23 =	vmpcnt.ones.xlane vm2;
	(xrf0) =	vadd.scan.msk.s32 vm2, v5  }
0x376: {  	v30 =	vmpcnt.ones.xlane vm1;
	vm0 =	vle.s32 v17, v22;
	v29 =	vadd.s32 v28, v24;
	(xrf0) =	vadd.scan.msk.s32 vm1, v5  }
0x377: {  	vm7 =	vle.s32 v17, v25;
	v22 =	vmpcnt.ones.xlane vm0;
	v24 =	vadd.s32 v29, v23;
	(xrf0) =	vadd.scan.msk.s32 vm0, v5  }
.Ltmp17:
0x378: {  	vm4 =	vle.s32 v17, v26;
	v25 =	vmpcnt.ones.xlane vm7;
	v23 =	vadd.s32 v24, v30;
	(xrf0) =	vadd.scan.msk.s32 vm7, v5;
	(pc) =	sbr.rel @p0 .LBB2_33-.Ltmp17, $4  }
0x379: {  	vm6 =	vle.s32 v17, v27;
	v26 =	vmpcnt.ones.xlane vm4;
	v22 =	vadd.s32 v23, v22;
	v27, _, _ =	vpop (xrf0);
	(xrf0) =	vadd.scan.msk.s32 vm4, v5  }
0x37a: {  	v27 =	vadd.s32 v19, v27;
	v25 =	vadd.s32 v22, v25;
	v19 =	vmpcnt.ones.xlane vm6;
	v30, _, _ =	vpop (xrf0);
	(xrf0) =	vadd.scan.msk.s32 vm6, v5  }
0x37b: {  	vm9 =	vlt.s32 v27, $0x40F;
	v28 =	vadd.s32 v28, v30;
	v26 =	vadd.s32 v25, v26;
	v30, _, _ =	vpop (xrf0);
	[tilespmem:v21+s20+$0x0] =	vst.idx.msk vm8, v20  }
0x37c: {  	s28 =	sadd.s32 $0x80, s28;
	vm8 =	vlt.s32 v28, $0x40F;
	v20 =	vadd.s32 v29, v30;
	v19 =	vadd.s32 v26, v19;
	v21, _, _ =	vpop (xrf0)  }
0x37d: {  	v17 =	vnsel vm9, $0x40F, v27  }
0x37e: {  	v28 =	vnsel vm8, $0x40F, v28;
	_ =	sdelay $0x1  }
0x37f: {  	v19, _, _ =	vpop (xrf0);
	vm13 =	vlt.s32 v20, $0x40F  }
0x380: {  	v52, _, _ =	vpop (xrf0);
	v20 =	vnsel vm13, $0x40F, v20;
	v19 =	vadd.s32 v23, v19  }
0x381: {  	v54 =	vadd.s32 $0x10, v14;
	v29, _, _ =	vpop (xrf0);
	vm13 =	vlt.s32 v19, $0x40F;
	[tilespmem:v17+s19+$0x0] =	vst.idx.msk vm5, v14  }
0x382: {  	v25 =	vadd.s32 v25, v29;
	v53, _, _ =	vpop (xrf0);
	v19 =	vnsel vm13, $0x40F, v19;
	[tilespmem:v28+s19+$0x0] =	vst.idx.msk vm3, v54  }
0x383: {  	v26 =	vadd.s32 v26, v53;
	vm14 =	vlt.s32 v25, $0x40F;
	[tilespmem:v17+s20+$0x0] =	vst.idx.msk vm5, v15  }
0x384: {  	v57 =	vadd.s32 $0x20, v14;
	v25 =	vnsel vm14, $0x40F, v25;
	vm15 =	vlt.s32 v26, $0x40F;
	[tilespmem:v28+s20+$0x0] =	vst.idx.msk vm3, v16  }
0x385: {  	v56 =	vadd.s32 v24, v21;
	v55 =	vnsel vm15, $0x40F, v26;
	[tilespmem:v20+s19+$0x0] =	vst.idx.msk vm2, v57  }
0x386: {  	v63 =	vadd.s32 $0x40, v14;
	vm12 =	vlt.s32 v56, $0x40F;
	v60 =	vadd.s32 v22, v52;
	[tilespmem:v20+s20+$0x0] =	vst.idx.msk vm2, v9  }
0x387: {  	vm14 =	vlt.s32 v60, $0x40F;
	v15 =	vnsel vm12, $0x40F, v56;
	[tilespmem:v19+s19+$0x0] =	vst.idx.msk vm0, v63  }
0x388: {  	v58 =	vadd.s32 $0x60, v14;
	v61 =	vnsel vm14, $0x40F, v60;
	[tilespmem:v19+s20+$0x0] =	vst.idx.msk vm0, v8  }
0x389: {  	v59 =	vadd.s32 $0x70, v14;
	[tilespmem:v25+s19+$0x0] =	vst.idx.msk vm4, v58  }
0x38a: {  	[tilespmem:v55+s19+$0x0] =	vst.idx.msk vm6, v59  }
0x38b: {  	v62 =	vadd.s32 $0x30, v14;
	[tilespmem:v25+s20+$0x0] =	vst.idx.msk vm4, v11  }
0x38c: {  	v8 =	vadd.s32 $0x50, v18;
	[tilespmem:v15+s19+$0x0] =	vst.idx.msk vm1, v62  }
0x38d: {  	s0 =	sshll.u32 s24, $0xD;
	[tilespmem:v61+s19+$0x0] =	vst.idx.msk vm7, v8  }
0x38e: {  	s0 =	sor.u32 s25, s0;
	[tilespmem:v55+s20+$0x0] =	vst.idx.msk vm6, v12  }
0x38f: {  	s0 =	sshrl.u32 s0, $0x3;
	[tilespmem:v15+s20+$0x0] =	vst.idx.msk vm1, v10  }
0x390: {  	s31 =	sadd.s32 s3, s0;
	[tilespmem:v61+s20+$0x0] =	vst.idx.msk vm7, v13  }
0x391: {  	[hbm4b:s31+s14] =	stream.strided.scatter [tilespmem:s19], [sflag:$0x2], $0x400, s7, s14, $0x38;
	[tilespmem:$0x1D280] =	vst v63  }
0x392: {  	_ =	swait.ge [sflag:s21], $0x400  }
0x393: {  	s23 =	sadd.s32 $0x1, s23;
	[sflag:s21] =	ssyncset.done $0x0  }
0x394: {  	p0 =	sne.s32 s23, $0x20;
	s0 =	sadd.s32 s5, s0;
	[sflag:s21] =	ssyncadd.s32 $0xFFFFFC00  }
0x395: {  	[hbm4b:s0+s14] =	stream.strided.scatter [tilespmem:s20], [sflag:$0x2], $0x400, s7, s14, $0x38;
	[tilespmem:$0x1D280] =	vst v63  }
.Ltmp18:
0x396: {  	_ = 	snop;
	(pc) =	sbr.rel @p0 .LBB2_2-.Ltmp18, $4  }
.Ltmp19:
0x397: {  	_ = 	snop;
	(pc) =	sbr.rel @!p0 .LBB2_35-.Ltmp19, $4  }
0x398: {  	_ =	swait.ge [sflag:s21], $0x400  }
0x399: {  	[sflag:s21] =	ssyncset.done $0x0  }
0x39a: {  	vm15 =	vmmov vm7;
	[sflag:s21] =	ssyncadd.s32 $0xFFFFFC00  }
0x39b: {  	_ = 	snop  }
.LBB2_21:
.Ltmp20:
0x39c: {  	(pc) =	sbr.rel .LBB2_30-.Ltmp20, $2  }
0x39d: {  	_ =	sdelay $0x2  }
0x39e: {  	s28 =	simm.s32 $0x0;
	s30 =	simm.s32 $0x0  }
.LBB2_23:
.Ltmp21:
0x39f: {  	(pc) =	sbr.rel .LBB2_30-.Ltmp21, $2  }
0x3a0: {  	_ =	sdelay $0x2  }
0x3a1: {  	s29 =	simm.s32 $0xFFFFFFF0;
	s28 =	simm.s32 $0x0;
	s30 =	simm.s32 $0x0  }
.LBB2_25:
.Ltmp22:
0x3a2: {  	(pc) =	sbr.rel .LBB2_30-.Ltmp22, $2  }
0x3a3: {  	_ =	sdelay $0x2  }
0x3a4: {  	v16 =	vmov v8;
	s28 =	simm.s32 $0x0;
	s30 =	simm.s32 $0x0  }
.LBB2_27:
.Ltmp23:
0x3a5: {  	(pc) =	sbr.rel .LBB2_30-.Ltmp23, $2  }
0x3a6: {  	_ =	sdelay $0x2  }
0x3a7: {  	s29 =	simm.s32 $0xFFFFFFD0;
	s28 =	simm.s32 $0x0  }
.LBB2_36:
0x3a8: {  	_ =	sfence.sel $0x180000  }
0x3a9: {  	[bflag:$0x0] =	sbarrier.arrive $0xFFFF  }
0x3aa: {  	_ =	strace $0x90000047  }
0x3ab: {  	[bflag:$0x2] =	sbarrier.arrive $0xFFFF  }
0x3ac: {  	p0 =	sne.s32 s4, $0x0;
	s0 =	rddreg [dreg:$0x1]  }
0x3ad: {  	s0 =	sadd.s32 @!p0 $0x100000, s0  }
0x3ae: {  	[sflag:s0] =	ssyncadd.tile.s32 @!p0 $0x1;
	_ =	shalt  }
.Lfunc_end2:
_tile_overlayer_lowered:
.L_overlay_start_2:
0x3af: {  	(tag) =	ssettag $0x2  }
0x3b0: {  	s0 =	rddreg [dreg:$0x0];
	s2 =	stileid.u32  }
0x3b1: {  	s1 =	rddreg [dreg:$0x1];
	p0 =	sne.s32 s2, $0x0  }
0x3b2: {  	s3 =	rddreg [dreg:$0x2];
	[bflag:$0x3] =	sbarrier.arrive $0xFFFF;
	s2 =	simm.s32 @!p0 $0x1C02  }
0x3b3: {  	[timem:s3], [sflag:s2] =	dma.local @!p0 [hbm:s0], s1  }
0x3b4: {  	s0 =	simm.s32 @!p0 $0x2  }
0x3b5: {  	_ =	swait.ge @!p0 [sflag:s0], s1  }
0x3b6: {  	s1 =	ssub.s32 @!p0 $0x0, s1;
	[sflag:s0] =	ssyncset.done @!p0 $0x0  }
0x3b7: {  	[sflag:s0] =	ssyncadd.s32 @!p0 s1  }
0x3b8: {  	[bflag:$0x3] =	sbarrier.arrive $0xFFFF  }
0x3b9: {  	_ =	shalt  }

</sc_bundles>
